<compile_context>
chip_gen: v7x
topology: tpu7x:2x2x1
jax: 0.10.2.dev20260603
libtpu: 0.0.44.dev20260713+nightly
codegen_flags: <defaults>
</compile_context>

<pallas_src>
import functools

import jax
import jax.numpy as jnp
from jax import lax
from jax.experimental import pallas as pl
from jax.experimental.pallas import tpu as pltpu
from jax.experimental.pallas import tpu_sc as plsc

_NC = 2
_NS = 16
_CW = 125
_NPAD = 10080



_RBIG = 640
_RSUB = 32


def _row_chunks(n, s):
    nfull = pl.cdiv(n, _RBIG) - 1
    last = n - nfull * _RBIG
    nsub = jnp.where(s < nfull, _RBIG // _RSUB, last // _RSUB)
    return s * _RBIG, nsub


@functools.lru_cache(maxsize=None)
def _make_deg(n, e):
    np_ = _NPAD
    crows = e // _CW
    tr = crows // (_NC * _NS)
    assert tr * _NC * _NS == crows and tr % 8 == 0, (n, e)
    infl = 8
    mesh = plsc.VectorSubcoreMesh(core_axis_name="c", subcore_axis_name="s")

    @functools.partial(
        pl.kernel,
        mesh=mesh,
        out_type=jax.ShapeDtypeStruct((_NC, np_, 16), jnp.float32),
        scratch_types=[
            pltpu.VMEM((tr, _CW), jnp.int32),
            pltpu.VMEM((_CW, 16), jnp.float32),
            pltpu.VMEM((_RSUB, 16), jnp.float32),
            pltpu.VMEM_SHARED((np_, 16), jnp.float32),
            pltpu.SemaphoreType.DMA,
        ],
    )
    def deg_kernel(dst2_hbm, out_hbm, idx2, ones_v, zbuf, acc, wsem):
        c = lax.axis_index("c")
        s = lax.axis_index("s")
        w = c * _NS + s

        pltpu.sync_copy(dst2_hbm.at[pl.ds(w * tr, tr)], idx2)

        def fill_ones(r, carry):
            ones_v[r, :] = jnp.ones((16,), jnp.float32)
            return carry

        lax.fori_loop(0, _CW, fill_ones, None)

        def fill_zero(r, carry):
            zbuf[r, :] = jnp.zeros((16,), jnp.float32)
            return carry

        lax.fori_loop(0, _RSUB, fill_zero, None)

        r0, nsub = _row_chunks(np_, s)

        def zero_acc(k, carry):
            pltpu.sync_copy(zbuf, acc.at[pl.ds(r0 + k * _RSUB, _RSUB)])
            return carry

        lax.fori_loop(0, nsub, zero_acc, None)
        plsc.subcore_barrier()

        def fire(j):
            pltpu.async_copy(ones_v, acc.at[idx2.at[j]], wsem, add=True)

        def drain_one():
            pltpu.make_async_copy(ones_v, acc.at[idx2.at[0]], wsem).wait()

        def prime(j, carry):
            fire(j)
            return carry

        lax.fori_loop(0, infl, prime, None)

        def steady(j, carry):
            drain_one()
            fire(j)
            return carry

        lax.fori_loop(infl, tr, steady, None)

        def drain(j, carry):
            drain_one()
            return carry

        lax.fori_loop(0, infl, drain, None)
        plsc.subcore_barrier()

        def wout(k, carry):
            rr = r0 + k * _RSUB
            pltpu.sync_copy(acc.at[pl.ds(rr, _RSUB)],
                            out_hbm.at[c, pl.ds(rr, _RSUB)])
            return carry

        lax.fori_loop(0, nsub, wout, None)

    return deg_kernel


@functools.lru_cache(maxsize=None)
def _make_agg(n, e, d):
    np_ = _NPAD
    crows = e // _CW
    tr = crows // (_NC * _NS)
    assert tr * _NC * _NS == crows and tr % 2 == 0 and tr % 8 == 0
    mesh = plsc.VectorSubcoreMesh(core_axis_name="c", subcore_axis_name="s")

    @functools.partial(
        pl.kernel,
        mesh=mesh,
        out_type=jax.ShapeDtypeStruct((_NC, np_, d), jnp.float32),
        scratch_types=[
            pltpu.VMEM((tr, _CW), jnp.int32),
            pltpu.VMEM((8, _CW), jnp.int32),
            pltpu.VMEM((_CW, d), jnp.float32),
            pltpu.VMEM((_CW, d), jnp.float32),
            pltpu.VMEM((_RSUB, d), jnp.float32),
            pltpu.VMEM_SHARED((np_, d), jnp.float32),
            pltpu.SemaphoreType.DMA,
            pltpu.SemaphoreType.DMA,
            pltpu.SemaphoreType.DMA,
            pltpu.SemaphoreType.DMA,
        ],
    )
    def agg_kernel(h_hbm, src2_hbm, dst2_hbm, out_hbm,
                   idx_s2, idd8, rows_a, rows_b,
                   zbuf, acc, gsem_a, gsem_b, wsem_a, wsem_b):
        c = lax.axis_index("c")
        s = lax.axis_index("s")
        w = c * _NS + s

        pltpu.sync_copy(src2_hbm.at[pl.ds(w * tr, tr)], idx_s2)

        def fill_zero(r, carry):
            def col(j, carry2):
                zbuf[r, pl.ds(j * 16, 16)] = jnp.zeros((16,), jnp.float32)
                return carry2
            return lax.fori_loop(0, d // 16, col, carry)

        lax.fori_loop(0, _RSUB, fill_zero, None)

        r0, nsub = _row_chunks(np_, s)

        def zero_acc(k, carry):
            pltpu.sync_copy(zbuf, acc.at[pl.ds(r0 + k * _RSUB, _RSUB)])
            return carry

        lax.fori_loop(0, nsub, zero_acc, None)
        plsc.subcore_barrier()

        def fire_a(j):
            pltpu.async_copy(h_hbm.at[idx_s2.at[j]], rows_a, gsem_a)

        def fire_b(j):
            pltpu.async_copy(h_hbm.at[idx_s2.at[j]], rows_b, gsem_b)

        def wait_ga():
            pltpu.make_async_copy(h_hbm.at[idx_s2.at[0]], rows_a,
                                  gsem_a).wait()

        def wait_gb():
            pltpu.make_async_copy(h_hbm.at[idx_s2.at[0]], rows_b,
                                  gsem_b).wait()

        def scatter(rows, k, sem):
            pltpu.async_copy(rows, acc.at[idd8.at[k]], sem, add=True)

        def wait_w(rows, sem):
            pltpu.make_async_copy(rows, acc.at[idd8.at[0]], sem).wait()

        def group(g, carry):
            j0 = 8 * g
            fire_a(j0)
            fire_b(j0 + 1)
            pltpu.sync_copy(dst2_hbm.at[pl.ds(w * tr + j0, 8)], idd8)

            def pair(k, carry2):
                wait_ga()
                scatter(rows_a, 2 * k, wsem_a)
                wait_gb()
                scatter(rows_b, 2 * k + 1, wsem_b)
                wait_w(rows_a, wsem_a)
                wait_w(rows_b, wsem_b)
                fire_a(j0 + 2 * k + 2)
                fire_b(j0 + 2 * k + 3)
                return carry2

            lax.fori_loop(0, 3, pair, None)
            wait_ga()
            scatter(rows_a, 6, wsem_a)
            wait_gb()
            scatter(rows_b, 7, wsem_b)
            wait_w(rows_a, wsem_a)
            wait_w(rows_b, wsem_b)
            return carry

        lax.fori_loop(0, tr // 8, group, None)
        plsc.subcore_barrier()

        def wout(k, carry):
            rr = r0 + k * _RSUB
            pltpu.sync_copy(acc.at[pl.ds(rr, _RSUB)],
                            out_hbm.at[c, pl.ds(rr, _RSUB)])
            return carry

        lax.fori_loop(0, nsub, wout, None)

    return agg_kernel



_BR = 1000


def _dinv_block(degp_ref):
    deg = degp_ref[0, :, 0:1] + degp_ref[1, :, 0:1] + 1.0
    return lax.rsqrt(deg)


def _tc1_body(x_ref, degp_ref, wp_ref, bp_ref, w1_ref, o_ref):
    dinv = _dinv_block(degp_ref)
    wc = jnp.dot(wp_ref[...], w1_ref[...], preferred_element_type=jnp.float32)
    bc = jnp.dot(bp_ref[...].reshape(1, -1), w1_ref[...],
                 preferred_element_type=jnp.float32)
    h = jnp.dot(x_ref[...], wc, preferred_element_type=jnp.float32) + bc
    o_ref[...] = h * dinv


def _tc2_body(a_ref, hs1_ref, degp_ref, b1_ref, w2_ref, o_ref):
    dinv = _dinv_block(degp_ref)
    t = (a_ref[0] + a_ref[1] + hs1_ref[...]) * dinv + b1_ref[...]
    t = jnp.maximum(t, 0.0)
    o_ref[...] = jnp.dot(t, w2_ref[...],
                         preferred_element_type=jnp.float32) * dinv


def _tc3_body(a_ref, hs2_ref, degp_ref, b2_ref, o_ref):
    dinv = _dinv_block(degp_ref)
    y = (a_ref[0] + a_ref[1] + hs2_ref[...]) * dinv + b2_ref[...]
    nrm = jnp.sqrt(jnp.sum(y * y, axis=1, keepdims=True))
    o_ref[...] = y / jnp.maximum(nrm, 1e-12)


def _row_spec(d):
    return pl.BlockSpec((_BR, d), lambda i: (i, 0))


def _part_spec(d):
    return pl.BlockSpec((_NC, _BR, d), lambda i: (0, i, 0))


def _full_spec(shape):
    nd = len(shape)
    return pl.BlockSpec(shape, lambda i: (0,) * nd)


@functools.lru_cache(maxsize=None)
def _make_tc1(n, d):
    return pl.pallas_call(
        _tc1_body,
        grid=(n // _BR,),
        in_specs=[_row_spec(d), _part_spec(16), _full_spec((d, d)),
                  _full_spec((d,)), _full_spec((d, d))],
        out_specs=_row_spec(d),
        out_shape=jax.ShapeDtypeStruct((n, d), jnp.float32),
    )


@functools.lru_cache(maxsize=None)
def _make_tc2(n, d):
    return pl.pallas_call(
        _tc2_body,
        grid=(n // _BR,),
        in_specs=[_part_spec(d), _row_spec(d), _part_spec(16),
                  _full_spec((d,)), _full_spec((d, d))],
        out_specs=_row_spec(d),
        out_shape=jax.ShapeDtypeStruct((n, d), jnp.float32),
    )


@functools.lru_cache(maxsize=None)
def _make_tc3(n, d):
    return pl.pallas_call(
        _tc3_body,
        grid=(n // _BR,),
        in_specs=[_part_spec(d), _row_spec(d), _part_spec(16),
                  _full_spec((d,))],
        out_specs=_row_spec(d),
        out_shape=jax.ShapeDtypeStruct((n, d), jnp.float32),
    )



def kernel(x, edge_index, W_pre, b_pre, W1, b1, W2, b2):
    n, d = x.shape
    e = edge_index.shape[1]
    ei = edge_index.astype(jnp.int32)
    src2 = ei[0].reshape(e // _CW, _CW)
    dst2 = ei[1].reshape(e // _CW, _CW)

    degp = _make_deg(n, e)(dst2)
    hs1 = _make_tc1(n, d)(x, degp, W_pre, b_pre, W1)
    agg1 = _make_agg(n, e, d)(hs1, src2, dst2)
    hs2 = _make_tc2(n, d)(agg1, hs1, degp, b1, W2)
    agg2 = _make_agg(n, e, d)(hs2, src2, dst2)
    return _make_tc3(n, d)(agg2, hs2, degp, b2)

# --- scband reference (transcript-rebuilt; emitter-appended) ---
"""Pipeline reference for scband-gcn-pyg-26912265077117 (READ-ONLY COPY).

The authoritative reference and input builder live on the scoring server;
editing this copy changes nothing except your own understanding.
"""

import jax, jax.numpy as jnp
import numpy as np

N = 10000
D = 128
E = 320000


def gcn_conv(x, edge_index, W, b):
    n = x.shape[0]
    loop = jnp.arange(n, dtype=edge_index.dtype)
    src = jnp.concatenate([edge_index[0], loop])
    dst = jnp.concatenate([edge_index[1], loop])
    deg = jnp.zeros((n,), x.dtype).at[dst].add(1.0)
    dinv = jnp.where(deg > 0, deg ** -0.5, 0.0)
    norm = dinv[src] * dinv[dst]
    h = x @ W
    msg = h[src] * norm[:, None]
    out = jnp.zeros((n, h.shape[1]), x.dtype).at[dst].add(msg)
    return out + b


def setup_inputs(seed: int = 0):
    key = jax.random.key(seed)
    ks = jax.random.split(key, 8)
    return {
        "x": jax.random.normal(ks[0], (N, D), jnp.float32),
        "edge_index": jax.random.randint(ks[1], (2, E), 0, N),
        "W_pre": jax.random.normal(ks[2], (D, D), jnp.float32) * 0.05,
        "b_pre": jnp.zeros((D,), jnp.float32),
        "W1": jax.random.normal(ks[3], (D, D), jnp.float32) * 0.05,
        "b1": jnp.zeros((D,), jnp.float32),
        "W2": jax.random.normal(ks[4], (D, D), jnp.float32) * 0.05,
        "b2": jnp.zeros((D,), jnp.float32),
    }


def reference(x, edge_index, W_pre, b_pre, W1, b1, W2, b2):
    # linear_pre (feature_pre=True)
    h = x @ W_pre + b_pre
    # conv_first (GCNConv with symmetric normalization + self-loops)
    h = gcn_conv(h, edge_index, W1, b1)
    h = jax.nn.relu(h)
    # dropout is identity in eval mode; layer_num=2 -> no hidden convs
    # conv_out
    h = gcn_conv(h, edge_index, W2, b2)
    # F.normalize(p=2, dim=-1)
    nrm = jnp.linalg.norm(h, axis=-1, keepdims=True)
    return h / jnp.maximum(nrm, 1e-12)

if __name__ == "__main__":
    import jax
    _d = setup_inputs()
    print(jax.jit(kernel)(*tuple(_d.values())))

</pallas_src>

<mosaic_0001>
#map = affine_map<(d0, d1) -> (0, 0)>
#map1 = affine_map<(d0, d1) -> (0, 0, 0)>
module attributes {stable_mosaic.version = 14 : i64} {
  func.func @agg_kernel(%arg0: i32, %arg1: i32, %arg2: memref<10000x128xf32, #tpu.memory_space<hbm>>, %arg3: memref<2560x125xi32, #tpu.memory_space<hbm>>, %arg4: memref<2560x125xi32, #tpu.memory_space<hbm>>, %arg5: memref<2x10080x128xf32, #tpu.memory_space<hbm>>, %arg6: memref<80x125xi32, #tpu.memory_space<vmem>>, %arg7: memref<8x125xi32, #tpu.memory_space<vmem>>, %arg8: memref<125x128xf32, #tpu.memory_space<vmem>>, %arg9: memref<125x128xf32, #tpu.memory_space<vmem>>, %arg10: memref<32x128xf32, #tpu.memory_space<vmem>>, %arg11: memref<10080x128xf32, #tpu.memory_space<vmem_shared>>, %arg12: memref<!tpu.dma_semaphore, #tpu.memory_space<semaphore_mem>>, %arg13: memref<!tpu.dma_semaphore, #tpu.memory_space<semaphore_mem>>, %arg14: memref<!tpu.dma_semaphore, #tpu.memory_space<semaphore_mem>>, %arg15: memref<!tpu.dma_semaphore, #tpu.memory_space<semaphore_mem>>) attributes {dimension_semantics = [#tpu.dimension_semantics<core_parallel>, #tpu.dimension_semantics<subcore_parallel>], iteration_bounds = array<i64: 2, 16>, scalar_prefetch = 0 : i64, scratch_operands = 10 : i64, tpu.core_type = #tpu.core_type<sc_vector_subcore>, window_params = [{transform_indices = #map}, {transform_indices = #map}, {transform_indices = #map}, {transform_indices = #map1}]} {
    %mul3A = arith.constant 16 : i32
    %mul3A_0 = arith.muli %arg0, %mul3A : i32
    %add3A = arith.addi %mul3A_0, %arg1 : i32
    %mul3A_1 = arith.constant 80 : i32
    %mul3A_2 = arith.muli %add3A, %mul3A_1 : i32
    "tpu.region"() ({
      %run_scoped3A = tpu.sem_alloc : memref<!tpu.dma_semaphore, #tpu.memory_space<semaphore_mem>>
      %dma_start3A = arith.constant 0 : i32
      %dma_start3A_34 = tpu.memref_slice %arg3[%mul3A_2, %dma_start3A] : memref<2560x125xi32, #tpu.memory_space<hbm>> -> memref<80x125xi32, #tpu.memory_space<hbm>>
      %dma_start3A_35 = arith.constant 0 : i32
      %dma_start3A_36 = tpu.memref_slice %arg3[%mul3A_2, %dma_start3A_35] : memref<2560x125xi32, #tpu.memory_space<hbm>> -> memref<80x125xi32, #tpu.memory_space<hbm>>
      tpu.enqueue_dma source(%dma_start3A_36 : memref<80x125xi32, #tpu.memory_space<hbm>>) target(%arg6 : memref<80x125xi32, #tpu.memory_space<vmem>>) target_semaphore(%run_scoped3A : memref<!tpu.dma_semaphore, #tpu.memory_space<semaphore_mem>>)
      %dma_wait3A = arith.constant 0 : i32
      %dma_wait3A_37 = tpu.memref_slice %arg3[%mul3A_2, %dma_wait3A] : memref<2560x125xi32, #tpu.memory_space<hbm>> -> memref<80x125xi32, #tpu.memory_space<hbm>>
      %dma_wait3A_38 = arith.constant 0 : i32
      %dma_wait3A_39 = tpu.memref_slice %arg3[%mul3A_2, %dma_wait3A_38] : memref<2560x125xi32, #tpu.memory_space<hbm>> -> memref<80x125xi32, #tpu.memory_space<hbm>>
      tpu.wait_dma2 semaphore(%run_scoped3A : memref<!tpu.dma_semaphore, #tpu.memory_space<semaphore_mem>>) src(%dma_wait3A_39 : memref<80x125xi32, #tpu.memory_space<hbm>>) dst(%arg6 : memref<80x125xi32, #tpu.memory_space<vmem>>)
      tpu.yield
    }) : () -> ()
    %scan3A = arith.constant 0 : i32
    %scan3A_3 = arith.constant 32 : i32
    %scan3A_4 = arith.addi %scan3A, %scan3A_3 : i32
    %scan3A_5 = arith.constant 1 : i32
    scf.for %scan3A_34 = %scan3A to %scan3A_4 step %scan3A_5  : i32 {
      %scan3A_35 = arith.constant 0 : i32
      %scan3A_36 = arith.constant 8 : i32
      %scan3A_37 = arith.addi %scan3A_35, %scan3A_36 : i32
      %scan3A_38 = arith.constant 1 : i32
      scf.for %scan3A_40 = %scan3A_35 to %scan3A_37 step %scan3A_38  : i32 {
        %broadcast_in_dim3A = arith.constant 0.000000e+00 : f32
        %broadcast_in_dim3A_41 = vector.broadcast %broadcast_in_dim3A : f32 to vector<16xf32>
        %mul3A_42 = arith.constant 16 : i32
        %mul3A_43 = arith.muli %scan3A_40, %mul3A_42 : i32
        %swap3A = arith.index_cast %scan3A_34 : i32 to index
        %swap3A_44 = arith.index_cast %mul3A_43 : i32 to index
        %swap3A_45 = tpu.vector_load %arg10[%swap3A, %swap3A_44] {strides = array<i32>} : memref<32x128xf32, #tpu.memory_space<vmem>>, vector<1x16xf32>,
        %swap3A_46 = vector.shape_cast %swap3A_45 : vector<1x16xf32> to vector<16xf32>
        %swap3A_47 = vector.shape_cast %broadcast_in_dim3A_41 : vector<16xf32> to vector<1x16xf32>
        tpu.vector_store %arg10[%swap3A, %swap3A_44], %swap3A_47 {strides = array<i32>} : memref<32x128xf32, #tpu.memory_space<vmem>>, vector<1x16xf32>,
      }
      %scan3A_39 = arith.constant 8 : i32
    }
    %scan3A_6 = arith.constant 32 : i32
    %lt3A = arith.constant 15 : i32
    %lt3A_7 = arith.cmpi slt, %arg1, %lt3A : i32
    %jit3A = arith.constant 20 : i32
    %jit3A_8 = arith.constant 15 : i32
    %select_n3A = arith.select %lt3A_7, %jit3A, %jit3A_8 : i32
    %mul3A_9 = arith.constant 640 : i32
    %mul3A_10 = arith.muli %arg1, %mul3A_9 : i32
    %while3A = arith.constant 0 : i32
    %while3A_11 = arith.subi %select_n3A, %while3A : i32
    %while3A_12 = arith.addi %while3A, %while3A_11 : i32
    %while3A_13 = arith.constant 1 : i32
    %while3A_14 = arith.divsi %while3A_11, %while3A_13 : i32
    %while3A_15 = arith.muli %while3A_14, %while3A_13 : i32
    %while3A_16 = arith.addi %while3A, %while3A_15 : i32
    %while3A_17 = arith.constant 1 : i32
    scf.for %while3A_34 = %while3A to %while3A_16 step %while3A_17  : i32 {
      %mul3A_35 = arith.constant 32 : i32
      %mul3A_36 = arith.muli %while3A_34, %mul3A_35 : i32
      %add3A_37 = arith.addi %mul3A_10, %mul3A_36 : i32
      "tpu.region"() ({
        %run_scoped3A = tpu.sem_alloc : memref<!tpu.dma_semaphore, #tpu.memory_space<semaphore_mem>>
        %dma_start3A = arith.constant 0 : i32
        %dma_start3A_38 = tpu.memref_slice %arg11[%add3A_37, %dma_start3A] : memref<10080x128xf32, #tpu.memory_space<vmem_shared>> -> memref<32x128xf32, #tpu.memory_space<vmem_shared>>
        %dma_start3A_39 = arith.constant 0 : i32
        %dma_start3A_40 = tpu.memref_slice %arg11[%add3A_37, %dma_start3A_39] : memref<10080x128xf32, #tpu.memory_space<vmem_shared>> -> memref<32x128xf32, #tpu.memory_space<vmem_shared>>
        tpu.enqueue_dma source(%arg10 : memref<32x128xf32, #tpu.memory_space<vmem>>) target(%dma_start3A_40 : memref<32x128xf32, #tpu.memory_space<vmem_shared>>) target_semaphore(%run_scoped3A : memref<!tpu.dma_semaphore, #tpu.memory_space<semaphore_mem>>)
        %dma_wait3A = arith.constant 0 : i32
        %dma_wait3A_41 = tpu.memref_slice %arg11[%add3A_37, %dma_wait3A] : memref<10080x128xf32, #tpu.memory_space<vmem_shared>> -> memref<32x128xf32, #tpu.memory_space<vmem_shared>>
        %dma_wait3A_42 = arith.constant 0 : i32
        %dma_wait3A_43 = tpu.memref_slice %arg11[%add3A_37, %dma_wait3A_42] : memref<10080x128xf32, #tpu.memory_space<vmem_shared>> -> memref<32x128xf32, #tpu.memory_space<vmem_shared>>
        tpu.wait_dma2 semaphore(%run_scoped3A : memref<!tpu.dma_semaphore, #tpu.memory_space<semaphore_mem>>) src(%arg10 : memref<32x128xf32, #tpu.memory_space<vmem>>) dst(%dma_wait3A_43 : memref<32x128xf32, #tpu.memory_space<vmem_shared>>)
        tpu.yield
      }) : () -> ()
    }
    %while3A_18 = arith.constant 1 : i32
    scf.for %while3A_34 = %while3A_16 to %while3A_12 step %while3A_18  : i32 {
      %mul3A_35 = arith.constant 32 : i32
      %mul3A_36 = arith.muli %while3A_34, %mul3A_35 : i32
      %add3A_37 = arith.addi %mul3A_10, %mul3A_36 : i32
      "tpu.region"() ({
        %run_scoped3A = tpu.sem_alloc : memref<!tpu.dma_semaphore, #tpu.memory_space<semaphore_mem>>
        %dma_start3A = arith.constant 0 : i32
        %dma_start3A_38 = tpu.memref_slice %arg11[%add3A_37, %dma_start3A] : memref<10080x128xf32, #tpu.memory_space<vmem_shared>> -> memref<32x128xf32, #tpu.memory_space<vmem_shared>>
        %dma_start3A_39 = arith.constant 0 : i32
        %dma_start3A_40 = tpu.memref_slice %arg11[%add3A_37, %dma_start3A_39] : memref<10080x128xf32, #tpu.memory_space<vmem_shared>> -> memref<32x128xf32, #tpu.memory_space<vmem_shared>>
        tpu.enqueue_dma source(%arg10 : memref<32x128xf32, #tpu.memory_space<vmem>>) target(%dma_start3A_40 : memref<32x128xf32, #tpu.memory_space<vmem_shared>>) target_semaphore(%run_scoped3A : memref<!tpu.dma_semaphore, #tpu.memory_space<semaphore_mem>>)
        %dma_wait3A = arith.constant 0 : i32
        %dma_wait3A_41 = tpu.memref_slice %arg11[%add3A_37, %dma_wait3A] : memref<10080x128xf32, #tpu.memory_space<vmem_shared>> -> memref<32x128xf32, #tpu.memory_space<vmem_shared>>
        %dma_wait3A_42 = arith.constant 0 : i32
        %dma_wait3A_43 = tpu.memref_slice %arg11[%add3A_37, %dma_wait3A_42] : memref<10080x128xf32, #tpu.memory_space<vmem_shared>> -> memref<32x128xf32, #tpu.memory_space<vmem_shared>>
        tpu.wait_dma2 semaphore(%run_scoped3A : memref<!tpu.dma_semaphore, #tpu.memory_space<semaphore_mem>>) src(%arg10 : memref<32x128xf32, #tpu.memory_space<vmem>>) dst(%dma_wait3A_43 : memref<32x128xf32, #tpu.memory_space<vmem_shared>>)
        tpu.yield
      }) : () -> ()
    }
    %barrier3A = arith.constant 0 : index
    tpu.barrier barrier_id(%barrier3A)
    %scan3A_19 = arith.constant 0 : i32
    %scan3A_20 = arith.constant 10 : i32
    %scan3A_21 = arith.addi %scan3A_19, %scan3A_20 : i32
    %scan3A_22 = arith.constant 1 : i32
    scf.for %scan3A_34 = %scan3A_19 to %scan3A_21 step %scan3A_22  : i32 {
      %mul3A_35 = arith.constant 8 : i32
      %mul3A_36 = arith.muli %mul3A_35, %scan3A_34 : i32
      %dma_start3A = arith.constant 0 : i32
      %dma_start3A_37 = tpu.memref_slice %arg6[%mul3A_36, %dma_start3A] : memref<80x125xi32, #tpu.memory_space<vmem>> -> memref<1x125xi32, #tpu.memory_space<vmem>>
      %dma_start3A_38 = tpu.memref_squeeze %dma_start3A_37 : memref<1x125xi32, #tpu.memory_space<vmem>> -> memref<125xi32, #tpu.memory_space<vmem>>
      %dma_start3A_39 = arith.constant 0 : i32
      %dma_start3A_40 = arith.constant 0 : i32
      %dma_start3A_41 = tpu.memref_slice %arg2[%dma_start3A_39, %dma_start3A_40] : memref<10000x128xf32, #tpu.memory_space<hbm>> -> memref<10000x128xf32, #tpu.memory_space<hbm>>
      tpu.enqueue_indirect_dma source(%dma_start3A_41 : memref<10000x128xf32, #tpu.memory_space<hbm>>) target(%arg8 : memref<125x128xf32, #tpu.memory_space<vmem>>) offsets(%dma_start3A_38 : memref<125xi32, #tpu.memory_space<vmem>>) semaphore(%arg12 : memref<!tpu.dma_semaphore, #tpu.memory_space<semaphore_mem>>)
      %add3A_42 = arith.constant 1 : i32
      %add3A_43 = arith.addi %mul3A_36, %add3A_42 : i32
      %dma_start3A_44 = arith.constant 0 : i32
      %dma_start3A_45 = tpu.memref_slice %arg6[%add3A_43, %dma_start3A_44] : memref<80x125xi32, #tpu.memory_space<vmem>> -> memref<1x125xi32, #tpu.memory_space<vmem>>
      %dma_start3A_46 = tpu.memref_squeeze %dma_start3A_45 : memref<1x125xi32, #tpu.memory_space<vmem>> -> memref<125xi32, #tpu.memory_space<vmem>>
      %dma_start3A_47 = arith.constant 0 : i32
      %dma_start3A_48 = arith.constant 0 : i32
      %dma_start3A_49 = tpu.memref_slice %arg2[%dma_start3A_47, %dma_start3A_48] : memref<10000x128xf32, #tpu.memory_space<hbm>> -> memref<10000x128xf32, #tpu.memory_space<hbm>>
      tpu.enqueue_indirect_dma source(%dma_start3A_49 : memref<10000x128xf32, #tpu.memory_space<hbm>>) target(%arg9 : memref<125x128xf32, #tpu.memory_space<vmem>>) offsets(%dma_start3A_46 : memref<125xi32, #tpu.memory_space<vmem>>) semaphore(%arg13 : memref<!tpu.dma_semaphore, #tpu.memory_space<semaphore_mem>>)
      %mul3A_50 = arith.constant 80 : i32
      %mul3A_51 = arith.muli %add3A, %mul3A_50 : i32
      %add3A_52 = arith.addi %mul3A_51, %mul3A_36 : i32
      "tpu.region"() ({
        %run_scoped3A = tpu.sem_alloc : memref<!tpu.dma_semaphore, #tpu.memory_space<semaphore_mem>>
        %dma_start3A_99 = arith.constant 0 : i32
        %dma_start3A_100 = tpu.memref_slice %arg4[%add3A_52, %dma_start3A_99] : memref<2560x125xi32, #tpu.memory_space<hbm>> -> memref<8x125xi32, #tpu.memory_space<hbm>>
        %dma_start3A_101 = arith.constant 0 : i32
        %dma_start3A_102 = tpu.memref_slice %arg4[%add3A_52, %dma_start3A_101] : memref<2560x125xi32, #tpu.memory_space<hbm>> -> memref<8x125xi32, #tpu.memory_space<hbm>>
        tpu.enqueue_dma source(%dma_start3A_102 : memref<8x125xi32, #tpu.memory_space<hbm>>) target(%arg7 : memref<8x125xi32, #tpu.memory_space<vmem>>) target_semaphore(%run_scoped3A : memref<!tpu.dma_semaphore, #tpu.memory_space<semaphore_mem>>)
        %dma_wait3A_103 = arith.constant 0 : i32
        %dma_wait3A_104 = tpu.memref_slice %arg4[%add3A_52, %dma_wait3A_103] : memref<2560x125xi32, #tpu.memory_space<hbm>> -> memref<8x125xi32, #tpu.memory_space<hbm>>
        %dma_wait3A_105 = arith.constant 0 : i32
        %dma_wait3A_106 = tpu.memref_slice %arg4[%add3A_52, %dma_wait3A_105] : memref<2560x125xi32, #tpu.memory_space<hbm>> -> memref<8x125xi32, #tpu.memory_space<hbm>>
        tpu.wait_dma2 semaphore(%run_scoped3A : memref<!tpu.dma_semaphore, #tpu.memory_space<semaphore_mem>>) src(%dma_wait3A_106 : memref<8x125xi32, #tpu.memory_space<hbm>>) dst(%arg7 : memref<8x125xi32, #tpu.memory_space<vmem>>)
        tpu.yield
      }) : () -> ()
      %scan3A_53 = arith.constant 0 : i32
      %scan3A_54 = arith.constant 3 : i32
      %scan3A_55 = arith.addi %scan3A_53, %scan3A_54 : i32
      %scan3A_56 = arith.constant 1 : i32
      scf.for %scan3A_99 = %scan3A_53 to %scan3A_55 step %scan3A_56  : i32 {
        %dma_wait3A_100 = arith.constant 0 : i32
        %dma_wait3A_101 = arith.constant 0 : i32
        %dma_wait3A_102 = tpu.memref_slice %arg6[%dma_wait3A_100, %dma_wait3A_101] : memref<80x125xi32, #tpu.memory_space<vmem>> -> memref<1x125xi32, #tpu.memory_space<vmem>>
        %dma_wait3A_103 = tpu.memref_squeeze %dma_wait3A_102 : memref<1x125xi32, #tpu.memory_space<vmem>> -> memref<125xi32, #tpu.memory_space<vmem>>
        %dma_wait3A_104 = arith.constant 0 : i32
        %dma_wait3A_105 = arith.constant 0 : i32
        %dma_wait3A_106 = tpu.memref_slice %arg2[%dma_wait3A_104, %dma_wait3A_105] : memref<10000x128xf32, #tpu.memory_space<hbm>> -> memref<10000x128xf32, #tpu.memory_space<hbm>>
        tpu.wait_indirect_dma semaphore(%arg12 : memref<!tpu.dma_semaphore, #tpu.memory_space<semaphore_mem>>) src(%dma_wait3A_106 : memref<10000x128xf32, #tpu.memory_space<hbm>>) dst(%arg8 : memref<125x128xf32, #tpu.memory_space<vmem>>)
        %mul3A_107 = arith.constant 2 : i32
        %mul3A_108 = arith.muli %mul3A_107, %scan3A_99 : i32
        %dma_start3A_109 = arith.constant 0 : i32
        %dma_start3A_110 = tpu.memref_slice %arg7[%mul3A_108, %dma_start3A_109] : memref<8x125xi32, #tpu.memory_space<vmem>> -> memref<1x125xi32, #tpu.memory_space<vmem>>
        %dma_start3A_111 = tpu.memref_squeeze %dma_start3A_110 : memref<1x125xi32, #tpu.memory_space<vmem>> -> memref<125xi32, #tpu.memory_space<vmem>>
        %dma_start3A_112 = arith.constant 0 : i32
        %dma_start3A_113 = arith.constant 0 : i32
        %dma_start3A_114 = tpu.memref_slice %arg11[%dma_start3A_112, %dma_start3A_113] : memref<10080x128xf32, #tpu.memory_space<vmem_shared>> -> memref<10080x128xf32, #tpu.memory_space<vmem_shared>>
        tpu.enqueue_indirect_dma source(%arg8 : memref<125x128xf32, #tpu.memory_space<vmem>>) target(%dma_start3A_114 : memref<10080x128xf32, #tpu.memory_space<vmem_shared>>) offsets(%dma_start3A_111 : memref<125xi32, #tpu.memory_space<vmem>>) semaphore(%arg14 : memref<!tpu.dma_semaphore, #tpu.memory_space<semaphore_mem>>) {add = true}
        %dma_wait3A_115 = arith.constant 0 : i32
        %dma_wait3A_116 = arith.constant 0 : i32
        %dma_wait3A_117 = tpu.memref_slice %arg6[%dma_wait3A_115, %dma_wait3A_116] : memref<80x125xi32, #tpu.memory_space<vmem>> -> memref<1x125xi32, #tpu.memory_space<vmem>>
        %dma_wait3A_118 = tpu.memref_squeeze %dma_wait3A_117 : memref<1x125xi32, #tpu.memory_space<vmem>> -> memref<125xi32, #tpu.memory_space<vmem>>
        %dma_wait3A_119 = arith.constant 0 : i32
        %dma_wait3A_120 = arith.constant 0 : i32
        %dma_wait3A_121 = tpu.memref_slice %arg2[%dma_wait3A_119, %dma_wait3A_120] : memref<10000x128xf32, #tpu.memory_space<hbm>> -> memref<10000x128xf32, #tpu.memory_space<hbm>>
        tpu.wait_indirect_dma semaphore(%arg13 : memref<!tpu.dma_semaphore, #tpu.memory_space<semaphore_mem>>) src(%dma_wait3A_121 : memref<10000x128xf32, #tpu.memory_space<hbm>>) dst(%arg9 : memref<125x128xf32, #tpu.memory_space<vmem>>)
        %mul3A_122 = arith.constant 2 : i32
        %mul3A_123 = arith.muli %mul3A_122, %scan3A_99 : i32
        %add3A_124 = arith.constant 1 : i32
        %add3A_125 = arith.addi %mul3A_123, %add3A_124 : i32
        %dma_start3A_126 = arith.constant 0 : i32
        %dma_start3A_127 = tpu.memref_slice %arg7[%add3A_125, %dma_start3A_126] : memref<8x125xi32, #tpu.memory_space<vmem>> -> memref<1x125xi32, #tpu.memory_space<vmem>>
        %dma_start3A_128 = tpu.memref_squeeze %dma_start3A_127 : memref<1x125xi32, #tpu.memory_space<vmem>> -> memref<125xi32, #tpu.memory_space<vmem>>
        %dma_start3A_129 = arith.constant 0 : i32
        %dma_start3A_130 = arith.constant 0 : i32
        %dma_start3A_131 = tpu.memref_slice %arg11[%dma_start3A_129, %dma_start3A_130] : memref<10080x128xf32, #tpu.memory_space<vmem_shared>> -> memref<10080x128xf32, #tpu.memory_space<vmem_shared>>
        tpu.enqueue_indirect_dma source(%arg9 : memref<125x128xf32, #tpu.memory_space<vmem>>) target(%dma_start3A_131 : memref<10080x128xf32, #tpu.memory_space<vmem_shared>>) offsets(%dma_start3A_128 : memref<125xi32, #tpu.memory_space<vmem>>) semaphore(%arg15 : memref<!tpu.dma_semaphore, #tpu.memory_space<semaphore_mem>>) {add = true}
        %dma_wait3A_132 = arith.constant 0 : i32
        %dma_wait3A_133 = arith.constant 0 : i32
        %dma_wait3A_134 = tpu.memref_slice %arg7[%dma_wait3A_132, %dma_wait3A_133] : memref<8x125xi32, #tpu.memory_space<vmem>> -> memref<1x125xi32, #tpu.memory_space<vmem>>
        %dma_wait3A_135 = tpu.memref_squeeze %dma_wait3A_134 : memref<1x125xi32, #tpu.memory_space<vmem>> -> memref<125xi32, #tpu.memory_space<vmem>>
        %dma_wait3A_136 = arith.constant 0 : i32
        %dma_wait3A_137 = arith.constant 0 : i32
        %dma_wait3A_138 = tpu.memref_slice %arg11[%dma_wait3A_136, %dma_wait3A_137] : memref<10080x128xf32, #tpu.memory_space<vmem_shared>> -> memref<10080x128xf32, #tpu.memory_space<vmem_shared>>
        tpu.wait_indirect_dma semaphore(%arg14 : memref<!tpu.dma_semaphore, #tpu.memory_space<semaphore_mem>>) src(%arg8 : memref<125x128xf32, #tpu.memory_space<vmem>>) dst(%dma_wait3A_138 : memref<10080x128xf32, #tpu.memory_space<vmem_shared>>)
        %dma_wait3A_139 = arith.constant 0 : i32
        %dma_wait3A_140 = arith.constant 0 : i32
        %dma_wait3A_141 = tpu.memref_slice %arg7[%dma_wait3A_139, %dma_wait3A_140] : memref<8x125xi32, #tpu.memory_space<vmem>> -> memref<1x125xi32, #tpu.memory_space<vmem>>
        %dma_wait3A_142 = tpu.memref_squeeze %dma_wait3A_141 : memref<1x125xi32, #tpu.memory_space<vmem>> -> memref<125xi32, #tpu.memory_space<vmem>>
        %dma_wait3A_143 = arith.constant 0 : i32
        %dma_wait3A_144 = arith.constant 0 : i32
        %dma_wait3A_145 = tpu.memref_slice %arg11[%dma_wait3A_143, %dma_wait3A_144] : memref<10080x128xf32, #tpu.memory_space<vmem_shared>> -> memref<10080x128xf32, #tpu.memory_space<vmem_shared>>
        tpu.wait_indirect_dma semaphore(%arg15 : memref<!tpu.dma_semaphore, #tpu.memory_space<semaphore_mem>>) src(%arg9 : memref<125x128xf32, #tpu.memory_space<vmem>>) dst(%dma_wait3A_145 : memref<10080x128xf32, #tpu.memory_space<vmem_shared>>)
        %mul3A_146 = arith.constant 2 : i32
        %mul3A_147 = arith.muli %mul3A_146, %scan3A_99 : i32
        %add3A_148 = arith.addi %mul3A_36, %mul3A_147 : i32
        %add3A_149 = arith.constant 2 : i32
        %add3A_150 = arith.addi %add3A_148, %add3A_149 : i32
        %dma_start3A_151 = arith.constant 0 : i32
        %dma_start3A_152 = tpu.memref_slice %arg6[%add3A_150, %dma_start3A_151] : memref<80x125xi32, #tpu.memory_space<vmem>> -> memref<1x125xi32, #tpu.memory_space<vmem>>
        %dma_start3A_153 = tpu.memref_squeeze %dma_start3A_152 : memref<1x125xi32, #tpu.memory_space<vmem>> -> memref<125xi32, #tpu.memory_space<vmem>>
        %dma_start3A_154 = arith.constant 0 : i32
        %dma_start3A_155 = arith.constant 0 : i32
        %dma_start3A_156 = tpu.memref_slice %arg2[%dma_start3A_154, %dma_start3A_155] : memref<10000x128xf32, #tpu.memory_space<hbm>> -> memref<10000x128xf32, #tpu.memory_space<hbm>>
        tpu.enqueue_indirect_dma source(%dma_start3A_156 : memref<10000x128xf32, #tpu.memory_space<hbm>>) target(%arg8 : memref<125x128xf32, #tpu.memory_space<vmem>>) offsets(%dma_start3A_153 : memref<125xi32, #tpu.memory_space<vmem>>) semaphore(%arg12 : memref<!tpu.dma_semaphore, #tpu.memory_space<semaphore_mem>>)
        %mul3A_157 = arith.constant 2 : i32
        %mul3A_158 = arith.muli %mul3A_157, %scan3A_99 : i32
        %add3A_159 = arith.addi %mul3A_36, %mul3A_158 : i32
        %add3A_160 = arith.constant 3 : i32
        %add3A_161 = arith.addi %add3A_159, %add3A_160 : i32
        %dma_start3A_162 = arith.constant 0 : i32
        %dma_start3A_163 = tpu.memref_slice %arg6[%add3A_161, %dma_start3A_162] : memref<80x125xi32, #tpu.memory_space<vmem>> -> memref<1x125xi32, #tpu.memory_space<vmem>>
        %dma_start3A_164 = tpu.memref_squeeze %dma_start3A_163 : memref<1x125xi32, #tpu.memory_space<vmem>> -> memref<125xi32, #tpu.memory_space<vmem>>
        %dma_start3A_165 = arith.constant 0 : i32
        %dma_start3A_166 = arith.constant 0 : i32
        %dma_start3A_167 = tpu.memref_slice %arg2[%dma_start3A_165, %dma_start3A_166] : memref<10000x128xf32, #tpu.memory_space<hbm>> -> memref<10000x128xf32, #tpu.memory_space<hbm>>
        tpu.enqueue_indirect_dma source(%dma_start3A_167 : memref<10000x128xf32, #tpu.memory_space<hbm>>) target(%arg9 : memref<125x128xf32, #tpu.memory_space<vmem>>) offsets(%dma_start3A_164 : memref<125xi32, #tpu.memory_space<vmem>>) semaphore(%arg13 : memref<!tpu.dma_semaphore, #tpu.memory_space<semaphore_mem>>)
      }
      %scan3A_57 = arith.constant 3 : i32
      %dma_wait3A = arith.constant 0 : i32
      %dma_wait3A_58 = arith.constant 0 : i32
      %dma_wait3A_59 = tpu.memref_slice %arg6[%dma_wait3A, %dma_wait3A_58] : memref<80x125xi32, #tpu.memory_space<vmem>> -> memref<1x125xi32, #tpu.memory_space<vmem>>
      %dma_wait3A_60 = tpu.memref_squeeze %dma_wait3A_59 : memref<1x125xi32, #tpu.memory_space<vmem>> -> memref<125xi32, #tpu.memory_space<vmem>>
      %dma_wait3A_61 = arith.constant 0 : i32
      %dma_wait3A_62 = arith.constant 0 : i32
      %dma_wait3A_63 = tpu.memref_slice %arg2[%dma_wait3A_61, %dma_wait3A_62] : memref<10000x128xf32, #tpu.memory_space<hbm>> -> memref<10000x128xf32, #tpu.memory_space<hbm>>
      tpu.wait_indirect_dma semaphore(%arg12 : memref<!tpu.dma_semaphore, #tpu.memory_space<semaphore_mem>>) src(%dma_wait3A_63 : memref<10000x128xf32, #tpu.memory_space<hbm>>) dst(%arg8 : memref<125x128xf32, #tpu.memory_space<vmem>>)
      %dma_start3A_64 = arith.constant 6 : i32
      %dma_start3A_65 = arith.constant 0 : i32
      %dma_start3A_66 = tpu.memref_slice %arg7[%dma_start3A_64, %dma_start3A_65] : memref<8x125xi32, #tpu.memory_space<vmem>> -> memref<1x125xi32, #tpu.memory_space<vmem>>
      %dma_start3A_67 = tpu.memref_squeeze %dma_start3A_66 : memref<1x125xi32, #tpu.memory_space<vmem>> -> memref<125xi32, #tpu.memory_space<vmem>>
      %dma_start3A_68 = arith.constant 0 : i32
      %dma_start3A_69 = arith.constant 0 : i32
      %dma_start3A_70 = tpu.memref_slice %arg11[%dma_start3A_68, %dma_start3A_69] : memref<10080x128xf32, #tpu.memory_space<vmem_shared>> -> memref<10080x128xf32, #tpu.memory_space<vmem_shared>>
      tpu.enqueue_indirect_dma source(%arg8 : memref<125x128xf32, #tpu.memory_space<vmem>>) target(%dma_start3A_70 : memref<10080x128xf32, #tpu.memory_space<vmem_shared>>) offsets(%dma_start3A_67 : memref<125xi32, #tpu.memory_space<vmem>>) semaphore(%arg14 : memref<!tpu.dma_semaphore, #tpu.memory_space<semaphore_mem>>) {add = true}
      %dma_wait3A_71 = arith.constant 0 : i32
      %dma_wait3A_72 = arith.constant 0 : i32
      %dma_wait3A_73 = tpu.memref_slice %arg6[%dma_wait3A_71, %dma_wait3A_72] : memref<80x125xi32, #tpu.memory_space<vmem>> -> memref<1x125xi32, #tpu.memory_space<vmem>>
      %dma_wait3A_74 = tpu.memref_squeeze %dma_wait3A_73 : memref<1x125xi32, #tpu.memory_space<vmem>> -> memref<125xi32, #tpu.memory_space<vmem>>
      %dma_wait3A_75 = arith.constant 0 : i32
      %dma_wait3A_76 = arith.constant 0 : i32
      %dma_wait3A_77 = tpu.memref_slice %arg2[%dma_wait3A_75, %dma_wait3A_76] : memref<10000x128xf32, #tpu.memory_space<hbm>> -> memref<10000x128xf32, #tpu.memory_space<hbm>>
      tpu.wait_indirect_dma semaphore(%arg13 : memref<!tpu.dma_semaphore, #tpu.memory_space<semaphore_mem>>) src(%dma_wait3A_77 : memref<10000x128xf32, #tpu.memory_space<hbm>>) dst(%arg9 : memref<125x128xf32, #tpu.memory_space<vmem>>)
      %dma_start3A_78 = arith.constant 7 : i32
      %dma_start3A_79 = arith.constant 0 : i32
      %dma_start3A_80 = tpu.memref_slice %arg7[%dma_start3A_78, %dma_start3A_79] : memref<8x125xi32, #tpu.memory_space<vmem>> -> memref<1x125xi32, #tpu.memory_space<vmem>>
      %dma_start3A_81 = tpu.memref_squeeze %dma_start3A_80 : memref<1x125xi32, #tpu.memory_space<vmem>> -> memref<125xi32, #tpu.memory_space<vmem>>
      %dma_start3A_82 = arith.constant 0 : i32
      %dma_start3A_83 = arith.constant 0 : i32
      %dma_start3A_84 = tpu.memref_slice %arg11[%dma_start3A_82, %dma_start3A_83] : memref<10080x128xf32, #tpu.memory_space<vmem_shared>> -> memref<10080x128xf32, #tpu.memory_space<vmem_shared>>
      tpu.enqueue_indirect_dma source(%arg9 : memref<125x128xf32, #tpu.memory_space<vmem>>) target(%dma_start3A_84 : memref<10080x128xf32, #tpu.memory_space<vmem_shared>>) offsets(%dma_start3A_81 : memref<125xi32, #tpu.memory_space<vmem>>) semaphore(%arg15 : memref<!tpu.dma_semaphore, #tpu.memory_space<semaphore_mem>>) {add = true}
      %dma_wait3A_85 = arith.constant 0 : i32
      %dma_wait3A_86 = arith.constant 0 : i32
      %dma_wait3A_87 = tpu.memref_slice %arg7[%dma_wait3A_85, %dma_wait3A_86] : memref<8x125xi32, #tpu.memory_space<vmem>> -> memref<1x125xi32, #tpu.memory_space<vmem>>
      %dma_wait3A_88 = tpu.memref_squeeze %dma_wait3A_87 : memref<1x125xi32, #tpu.memory_space<vmem>> -> memref<125xi32, #tpu.memory_space<vmem>>
      %dma_wait3A_89 = arith.constant 0 : i32
      %dma_wait3A_90 = arith.constant 0 : i32
      %dma_wait3A_91 = tpu.memref_slice %arg11[%dma_wait3A_89, %dma_wait3A_90] : memref<10080x128xf32, #tpu.memory_space<vmem_shared>> -> memref<10080x128xf32, #tpu.memory_space<vmem_shared>>
      tpu.wait_indirect_dma semaphore(%arg14 : memref<!tpu.dma_semaphore, #tpu.memory_space<semaphore_mem>>) src(%arg8 : memref<125x128xf32, #tpu.memory_space<vmem>>) dst(%dma_wait3A_91 : memref<10080x128xf32, #tpu.memory_space<vmem_shared>>)
      %dma_wait3A_92 = arith.constant 0 : i32
      %dma_wait3A_93 = arith.constant 0 : i32
      %dma_wait3A_94 = tpu.memref_slice %arg7[%dma_wait3A_92, %dma_wait3A_93] : memref<8x125xi32, #tpu.memory_space<vmem>> -> memref<1x125xi32, #tpu.memory_space<vmem>>
      %dma_wait3A_95 = tpu.memref_squeeze %dma_wait3A_94 : memref<1x125xi32, #tpu.memory_space<vmem>> -> memref<125xi32, #tpu.memory_space<vmem>>
      %dma_wait3A_96 = arith.constant 0 : i32
      %dma_wait3A_97 = arith.constant 0 : i32
      %dma_wait3A_98 = tpu.memref_slice %arg11[%dma_wait3A_96, %dma_wait3A_97] : memref<10080x128xf32, #tpu.memory_space<vmem_shared>> -> memref<10080x128xf32, #tpu.memory_space<vmem_shared>>
      tpu.wait_indirect_dma semaphore(%arg15 : memref<!tpu.dma_semaphore, #tpu.memory_space<semaphore_mem>>) src(%arg9 : memref<125x128xf32, #tpu.memory_space<vmem>>) dst(%dma_wait3A_98 : memref<10080x128xf32, #tpu.memory_space<vmem_shared>>)
    }
    %scan3A_23 = arith.constant 10 : i32
    %barrier3A_24 = arith.constant 0 : index
    tpu.barrier barrier_id(%barrier3A_24)
    %while3A_25 = arith.constant 0 : i32
    %while3A_26 = arith.subi %select_n3A, %while3A_25 : i32
    %while3A_27 = arith.addi %while3A_25, %while3A_26 : i32
    %while3A_28 = arith.constant 1 : i32
    %while3A_29 = arith.divsi %while3A_26, %while3A_28 : i32
    %while3A_30 = arith.muli %while3A_29, %while3A_28 : i32
    %while3A_31 = arith.addi %while3A_25, %while3A_30 : i32
    %while3A_32 = arith.constant 1 : i32
    scf.for %while3A_34 = %while3A_25 to %while3A_31 step %while3A_32  : i32 {
      %mul3A_35 = arith.constant 32 : i32
      %mul3A_36 = arith.muli %while3A_34, %mul3A_35 : i32
      %add3A_37 = arith.addi %mul3A_10, %mul3A_36 : i32
      "tpu.region"() ({
        %run_scoped3A = tpu.sem_alloc : memref<!tpu.dma_semaphore, #tpu.memory_space<semaphore_mem>>
        %dma_start3A = arith.constant 0 : i32
        %dma_start3A_38 = tpu.memref_slice %arg5[%arg0, %add3A_37, %dma_start3A] : memref<2x10080x128xf32, #tpu.memory_space<hbm>> -> memref<1x32x128xf32, #tpu.memory_space<hbm>>
        %dma_start3A_39 = tpu.memref_squeeze %dma_start3A_38 : memref<1x32x128xf32, #tpu.memory_space<hbm>> -> memref<32x128xf32, #tpu.memory_space<hbm>>
        %dma_start3A_40 = arith.constant 0 : i32
        %dma_start3A_41 = tpu.memref_slice %arg11[%add3A_37, %dma_start3A_40] : memref<10080x128xf32, #tpu.memory_space<vmem_shared>> -> memref<32x128xf32, #tpu.memory_space<vmem_shared>>
        tpu.enqueue_dma source(%dma_start3A_41 : memref<32x128xf32, #tpu.memory_space<vmem_shared>>) target(%dma_start3A_39 : memref<32x128xf32, #tpu.memory_space<hbm>>) target_semaphore(%run_scoped3A : memref<!tpu.dma_semaphore, #tpu.memory_space<semaphore_mem>>)
        %dma_wait3A = arith.constant 0 : i32
        %dma_wait3A_42 = tpu.memref_slice %arg5[%arg0, %add3A_37, %dma_wait3A] : memref<2x10080x128xf32, #tpu.memory_space<hbm>> -> memref<1x32x128xf32, #tpu.memory_space<hbm>>
        %dma_wait3A_43 = tpu.memref_squeeze %dma_wait3A_42 : memref<1x32x128xf32, #tpu.memory_space<hbm>> -> memref<32x128xf32, #tpu.memory_space<hbm>>
        %dma_wait3A_44 = arith.constant 0 : i32
        %dma_wait3A_45 = tpu.memref_slice %arg11[%add3A_37, %dma_wait3A_44] : memref<10080x128xf32, #tpu.memory_space<vmem_shared>> -> memref<32x128xf32, #tpu.memory_space<vmem_shared>>
        tpu.wait_dma2 semaphore(%run_scoped3A : memref<!tpu.dma_semaphore, #tpu.memory_space<semaphore_mem>>) src(%dma_wait3A_45 : memref<32x128xf32, #tpu.memory_space<vmem_shared>>) dst(%dma_wait3A_43 : memref<32x128xf32, #tpu.memory_space<hbm>>)
        tpu.yield
      }) : () -> ()
    }
    %while3A_33 = arith.constant 1 : i32
    scf.for %while3A_34 = %while3A_31 to %while3A_27 step %while3A_33  : i32 {
      %mul3A_35 = arith.constant 32 : i32
      %mul3A_36 = arith.muli %while3A_34, %mul3A_35 : i32
      %add3A_37 = arith.addi %mul3A_10, %mul3A_36 : i32
      "tpu.region"() ({
        %run_scoped3A = tpu.sem_alloc : memref<!tpu.dma_semaphore, #tpu.memory_space<semaphore_mem>>
        %dma_start3A = arith.constant 0 : i32
        %dma_start3A_38 = tpu.memref_slice %arg5[%arg0, %add3A_37, %dma_start3A] : memref<2x10080x128xf32, #tpu.memory_space<hbm>> -> memref<1x32x128xf32, #tpu.memory_space<hbm>>
        %dma_start3A_39 = tpu.memref_squeeze %dma_start3A_38 : memref<1x32x128xf32, #tpu.memory_space<hbm>> -> memref<32x128xf32, #tpu.memory_space<hbm>>
        %dma_start3A_40 = arith.constant 0 : i32
        %dma_start3A_41 = tpu.memref_slice %arg11[%add3A_37, %dma_start3A_40] : memref<10080x128xf32, #tpu.memory_space<vmem_shared>> -> memref<32x128xf32, #tpu.memory_space<vmem_shared>>
        tpu.enqueue_dma source(%dma_start3A_41 : memref<32x128xf32, #tpu.memory_space<vmem_shared>>) target(%dma_start3A_39 : memref<32x128xf32, #tpu.memory_space<hbm>>) target_semaphore(%run_scoped3A : memref<!tpu.dma_semaphore, #tpu.memory_space<semaphore_mem>>)
        %dma_wait3A = arith.constant 0 : i32
        %dma_wait3A_42 = tpu.memref_slice %arg5[%arg0, %add3A_37, %dma_wait3A] : memref<2x10080x128xf32, #tpu.memory_space<hbm>> -> memref<1x32x128xf32, #tpu.memory_space<hbm>>
        %dma_wait3A_43 = tpu.memref_squeeze %dma_wait3A_42 : memref<1x32x128xf32, #tpu.memory_space<hbm>> -> memref<32x128xf32, #tpu.memory_space<hbm>>
        %dma_wait3A_44 = arith.constant 0 : i32
        %dma_wait3A_45 = tpu.memref_slice %arg11[%add3A_37, %dma_wait3A_44] : memref<10080x128xf32, #tpu.memory_space<vmem_shared>> -> memref<32x128xf32, #tpu.memory_space<vmem_shared>>
        tpu.wait_dma2 semaphore(%run_scoped3A : memref<!tpu.dma_semaphore, #tpu.memory_space<semaphore_mem>>) src(%dma_wait3A_45 : memref<32x128xf32, #tpu.memory_space<vmem_shared>>) dst(%dma_wait3A_43 : memref<32x128xf32, #tpu.memory_space<hbm>>)
        tpu.yield
      }) : () -> ()
    }
    return
  }
}

#map = affine_map<(d0, d1) -> (0, 0)>
#map1 = affine_map<(d0, d1) -> (0, 0, 0)>
module attributes {stable_mosaic.version = 14 : i64} {
  func.func @deg_kernel(%arg0: i32, %arg1: i32, %arg2: memref<2560x125xi32, #tpu.memory_space<hbm>>, %arg3: memref<2x10080x16xf32, #tpu.memory_space<hbm>>, %arg4: memref<80x125xi32, #tpu.memory_space<vmem>>, %arg5: memref<125x16xf32, #tpu.memory_space<vmem>>, %arg6: memref<32x16xf32, #tpu.memory_space<vmem>>, %arg7: memref<10080x16xf32, #tpu.memory_space<vmem_shared>>, %arg8: memref<!tpu.dma_semaphore, #tpu.memory_space<semaphore_mem>>) attributes {dimension_semantics = [#tpu.dimension_semantics<core_parallel>, #tpu.dimension_semantics<subcore_parallel>], iteration_bounds = array<i64: 2, 16>, scalar_prefetch = 0 : i64, scratch_operands = 5 : i64, tpu.core_type = #tpu.core_type<sc_vector_subcore>, window_params = [{transform_indices = #map}, {transform_indices = #map1}]} {
    %mul3A = arith.constant 16 : i32
    %mul3A_0 = arith.muli %arg0, %mul3A : i32
    %add3A = arith.addi %mul3A_0, %arg1 : i32
    %mul3A_1 = arith.constant 80 : i32
    %mul3A_2 = arith.muli %add3A, %mul3A_1 : i32
    "tpu.region"() ({
      %run_scoped3A = tpu.sem_alloc : memref<!tpu.dma_semaphore, #tpu.memory_space<semaphore_mem>>
      %dma_start3A = arith.constant 0 : i32
      %dma_start3A_49 = tpu.memref_slice %arg2[%mul3A_2, %dma_start3A] : memref<2560x125xi32, #tpu.memory_space<hbm>> -> memref<80x125xi32, #tpu.memory_space<hbm>>
      %dma_start3A_50 = arith.constant 0 : i32
      %dma_start3A_51 = tpu.memref_slice %arg2[%mul3A_2, %dma_start3A_50] : memref<2560x125xi32, #tpu.memory_space<hbm>> -> memref<80x125xi32, #tpu.memory_space<hbm>>
      tpu.enqueue_dma source(%dma_start3A_51 : memref<80x125xi32, #tpu.memory_space<hbm>>) target(%arg4 : memref<80x125xi32, #tpu.memory_space<vmem>>) target_semaphore(%run_scoped3A : memref<!tpu.dma_semaphore, #tpu.memory_space<semaphore_mem>>)
      %dma_wait3A = arith.constant 0 : i32
      %dma_wait3A_52 = tpu.memref_slice %arg2[%mul3A_2, %dma_wait3A] : memref<2560x125xi32, #tpu.memory_space<hbm>> -> memref<80x125xi32, #tpu.memory_space<hbm>>
      %dma_wait3A_53 = arith.constant 0 : i32
      %dma_wait3A_54 = tpu.memref_slice %arg2[%mul3A_2, %dma_wait3A_53] : memref<2560x125xi32, #tpu.memory_space<hbm>> -> memref<80x125xi32, #tpu.memory_space<hbm>>
      tpu.wait_dma2 semaphore(%run_scoped3A : memref<!tpu.dma_semaphore, #tpu.memory_space<semaphore_mem>>) src(%dma_wait3A_54 : memref<80x125xi32, #tpu.memory_space<hbm>>) dst(%arg4 : memref<80x125xi32, #tpu.memory_space<vmem>>)
      tpu.yield
    }) : () -> ()
    %scan3A = arith.constant 0 : i32
    %scan3A_3 = arith.constant 125 : i32
    %scan3A_4 = arith.addi %scan3A, %scan3A_3 : i32
    %scan3A_5 = arith.constant 1 : i32
    scf.for %scan3A_49 = %scan3A to %scan3A_4 step %scan3A_5  : i32 {
      %broadcast_in_dim3A = arith.constant 1.000000e+00 : f32
      %broadcast_in_dim3A_50 = vector.broadcast %broadcast_in_dim3A : f32 to vector<16xf32>
      %swap3A = arith.index_cast %scan3A_49 : i32 to index
      %swap3A_51 = arith.constant 0 : index
      %swap3A_52 = tpu.vector_load %arg5[%swap3A, %swap3A_51] {strides = array<i32>} : memref<125x16xf32, #tpu.memory_space<vmem>>, vector<1x16xf32>,
      %swap3A_53 = vector.shape_cast %swap3A_52 : vector<1x16xf32> to vector<16xf32>
      %swap3A_54 = vector.shape_cast %broadcast_in_dim3A_50 : vector<16xf32> to vector<1x16xf32>
      tpu.vector_store %arg5[%swap3A, %swap3A_51], %swap3A_54 {strides = array<i32>} : memref<125x16xf32, #tpu.memory_space<vmem>>, vector<1x16xf32>,
    }
    %scan3A_6 = arith.constant 125 : i32
    %scan3A_7 = arith.constant 0 : i32
    %scan3A_8 = arith.constant 32 : i32
    %scan3A_9 = arith.addi %scan3A_7, %scan3A_8 : i32
    %scan3A_10 = arith.constant 1 : i32
    scf.for %scan3A_49 = %scan3A_7 to %scan3A_9 step %scan3A_10  : i32 {
      %broadcast_in_dim3A = arith.constant 0.000000e+00 : f32
      %broadcast_in_dim3A_50 = vector.broadcast %broadcast_in_dim3A : f32 to vector<16xf32>
      %swap3A = arith.index_cast %scan3A_49 : i32 to index
      %swap3A_51 = arith.constant 0 : index
      %swap3A_52 = tpu.vector_load %arg6[%swap3A, %swap3A_51] {strides = array<i32>} : memref<32x16xf32, #tpu.memory_space<vmem>>, vector<1x16xf32>,
      %swap3A_53 = vector.shape_cast %swap3A_52 : vector<1x16xf32> to vector<16xf32>
      %swap3A_54 = vector.shape_cast %broadcast_in_dim3A_50 : vector<16xf32> to vector<1x16xf32>
      tpu.vector_store %arg6[%swap3A, %swap3A_51], %swap3A_54 {strides = array<i32>} : memref<32x16xf32, #tpu.memory_space<vmem>>, vector<1x16xf32>,
    }
    %scan3A_11 = arith.constant 32 : i32
    %lt3A = arith.constant 15 : i32
    %lt3A_12 = arith.cmpi slt, %arg1, %lt3A : i32
    %jit3A = arith.constant 20 : i32
    %jit3A_13 = arith.constant 15 : i32
    %select_n3A = arith.select %lt3A_12, %jit3A, %jit3A_13 : i32
    %mul3A_14 = arith.constant 640 : i32
    %mul3A_15 = arith.muli %arg1, %mul3A_14 : i32
    %while3A = arith.constant 0 : i32
    %while3A_16 = arith.subi %select_n3A, %while3A : i32
    %while3A_17 = arith.addi %while3A, %while3A_16 : i32
    %while3A_18 = arith.constant 1 : i32
    %while3A_19 = arith.divsi %while3A_16, %while3A_18 : i32
    %while3A_20 = arith.muli %while3A_19, %while3A_18 : i32
    %while3A_21 = arith.addi %while3A, %while3A_20 : i32
    %while3A_22 = arith.constant 1 : i32
    scf.for %while3A_49 = %while3A to %while3A_21 step %while3A_22  : i32 {
      %mul3A_50 = arith.constant 32 : i32
      %mul3A_51 = arith.muli %while3A_49, %mul3A_50 : i32
      %add3A_52 = arith.addi %mul3A_15, %mul3A_51 : i32
      "tpu.region"() ({
        %run_scoped3A = tpu.sem_alloc : memref<!tpu.dma_semaphore, #tpu.memory_space<semaphore_mem>>
        %dma_start3A = arith.constant 0 : i32
        %dma_start3A_53 = tpu.memref_slice %arg7[%add3A_52, %dma_start3A] : memref<10080x16xf32, #tpu.memory_space<vmem_shared>> -> memref<32x16xf32, #tpu.memory_space<vmem_shared>>
        %dma_start3A_54 = arith.constant 0 : i32
        %dma_start3A_55 = tpu.memref_slice %arg7[%add3A_52, %dma_start3A_54] : memref<10080x16xf32, #tpu.memory_space<vmem_shared>> -> memref<32x16xf32, #tpu.memory_space<vmem_shared>>
        tpu.enqueue_dma source(%arg6 : memref<32x16xf32, #tpu.memory_space<vmem>>) target(%dma_start3A_55 : memref<32x16xf32, #tpu.memory_space<vmem_shared>>) target_semaphore(%run_scoped3A : memref<!tpu.dma_semaphore, #tpu.memory_space<semaphore_mem>>)
        %dma_wait3A = arith.constant 0 : i32
        %dma_wait3A_56 = tpu.memref_slice %arg7[%add3A_52, %dma_wait3A] : memref<10080x16xf32, #tpu.memory_space<vmem_shared>> -> memref<32x16xf32, #tpu.memory_space<vmem_shared>>
        %dma_wait3A_57 = arith.constant 0 : i32
        %dma_wait3A_58 = tpu.memref_slice %arg7[%add3A_52, %dma_wait3A_57] : memref<10080x16xf32, #tpu.memory_space<vmem_shared>> -> memref<32x16xf32, #tpu.memory_space<vmem_shared>>
        tpu.wait_dma2 semaphore(%run_scoped3A : memref<!tpu.dma_semaphore, #tpu.memory_space<semaphore_mem>>) src(%arg6 : memref<32x16xf32, #tpu.memory_space<vmem>>) dst(%dma_wait3A_58 : memref<32x16xf32, #tpu.memory_space<vmem_shared>>)
        tpu.yield
      }) : () -> ()
    }
    %while3A_23 = arith.constant 1 : i32
    scf.for %while3A_49 = %while3A_21 to %while3A_17 step %while3A_23  : i32 {
      %mul3A_50 = arith.constant 32 : i32
      %mul3A_51 = arith.muli %while3A_49, %mul3A_50 : i32
      %add3A_52 = arith.addi %mul3A_15, %mul3A_51 : i32
      "tpu.region"() ({
        %run_scoped3A = tpu.sem_alloc : memref<!tpu.dma_semaphore, #tpu.memory_space<semaphore_mem>>
        %dma_start3A = arith.constant 0 : i32
        %dma_start3A_53 = tpu.memref_slice %arg7[%add3A_52, %dma_start3A] : memref<10080x16xf32, #tpu.memory_space<vmem_shared>> -> memref<32x16xf32, #tpu.memory_space<vmem_shared>>
        %dma_start3A_54 = arith.constant 0 : i32
        %dma_start3A_55 = tpu.memref_slice %arg7[%add3A_52, %dma_start3A_54] : memref<10080x16xf32, #tpu.memory_space<vmem_shared>> -> memref<32x16xf32, #tpu.memory_space<vmem_shared>>
        tpu.enqueue_dma source(%arg6 : memref<32x16xf32, #tpu.memory_space<vmem>>) target(%dma_start3A_55 : memref<32x16xf32, #tpu.memory_space<vmem_shared>>) target_semaphore(%run_scoped3A : memref<!tpu.dma_semaphore, #tpu.memory_space<semaphore_mem>>)
        %dma_wait3A = arith.constant 0 : i32
        %dma_wait3A_56 = tpu.memref_slice %arg7[%add3A_52, %dma_wait3A] : memref<10080x16xf32, #tpu.memory_space<vmem_shared>> -> memref<32x16xf32, #tpu.memory_space<vmem_shared>>
        %dma_wait3A_57 = arith.constant 0 : i32
        %dma_wait3A_58 = tpu.memref_slice %arg7[%add3A_52, %dma_wait3A_57] : memref<10080x16xf32, #tpu.memory_space<vmem_shared>> -> memref<32x16xf32, #tpu.memory_space<vmem_shared>>
        tpu.wait_dma2 semaphore(%run_scoped3A : memref<!tpu.dma_semaphore, #tpu.memory_space<semaphore_mem>>) src(%arg6 : memref<32x16xf32, #tpu.memory_space<vmem>>) dst(%dma_wait3A_58 : memref<32x16xf32, #tpu.memory_space<vmem_shared>>)
        tpu.yield
      }) : () -> ()
    }
    %barrier3A = arith.constant 0 : index
    tpu.barrier barrier_id(%barrier3A)
    %scan3A_24 = arith.constant 0 : i32
    %scan3A_25 = arith.constant 8 : i32
    %scan3A_26 = arith.addi %scan3A_24, %scan3A_25 : i32
    %scan3A_27 = arith.constant 1 : i32
    scf.for %scan3A_49 = %scan3A_24 to %scan3A_26 step %scan3A_27  : i32 {
      %dma_start3A = arith.constant 0 : i32
      %dma_start3A_50 = tpu.memref_slice %arg4[%scan3A_49, %dma_start3A] : memref<80x125xi32, #tpu.memory_space<vmem>> -> memref<1x125xi32, #tpu.memory_space<vmem>>
      %dma_start3A_51 = tpu.memref_squeeze %dma_start3A_50 : memref<1x125xi32, #tpu.memory_space<vmem>> -> memref<125xi32, #tpu.memory_space<vmem>>
      %dma_start3A_52 = arith.constant 0 : i32
      %dma_start3A_53 = arith.constant 0 : i32
      %dma_start3A_54 = tpu.memref_slice %arg7[%dma_start3A_52, %dma_start3A_53] : memref<10080x16xf32, #tpu.memory_space<vmem_shared>> -> memref<10080x16xf32, #tpu.memory_space<vmem_shared>>
      tpu.enqueue_indirect_dma source(%arg5 : memref<125x16xf32, #tpu.memory_space<vmem>>) target(%dma_start3A_54 : memref<10080x16xf32, #tpu.memory_space<vmem_shared>>) offsets(%dma_start3A_51 : memref<125xi32, #tpu.memory_space<vmem>>) semaphore(%arg8 : memref<!tpu.dma_semaphore, #tpu.memory_space<semaphore_mem>>) {add = true}
    }
    %scan3A_28 = arith.constant 8 : i32
    %scan3A_29 = arith.constant 8 : i32
    %scan3A_30 = arith.constant 72 : i32
    %scan3A_31 = arith.addi %scan3A_29, %scan3A_30 : i32
    %scan3A_32 = arith.constant 1 : i32
    scf.for %scan3A_49 = %scan3A_29 to %scan3A_31 step %scan3A_32  : i32 {
      %dma_wait3A = arith.constant 0 : i32
      %dma_wait3A_50 = arith.constant 0 : i32
      %dma_wait3A_51 = tpu.memref_slice %arg4[%dma_wait3A, %dma_wait3A_50] : memref<80x125xi32, #tpu.memory_space<vmem>> -> memref<1x125xi32, #tpu.memory_space<vmem>>
      %dma_wait3A_52 = tpu.memref_squeeze %dma_wait3A_51 : memref<1x125xi32, #tpu.memory_space<vmem>> -> memref<125xi32, #tpu.memory_space<vmem>>
      %dma_wait3A_53 = arith.constant 0 : i32
      %dma_wait3A_54 = arith.constant 0 : i32
      %dma_wait3A_55 = tpu.memref_slice %arg7[%dma_wait3A_53, %dma_wait3A_54] : memref<10080x16xf32, #tpu.memory_space<vmem_shared>> -> memref<10080x16xf32, #tpu.memory_space<vmem_shared>>
      tpu.wait_indirect_dma semaphore(%arg8 : memref<!tpu.dma_semaphore, #tpu.memory_space<semaphore_mem>>) src(%arg5 : memref<125x16xf32, #tpu.memory_space<vmem>>) dst(%dma_wait3A_55 : memref<10080x16xf32, #tpu.memory_space<vmem_shared>>)
      %dma_start3A = arith.constant 0 : i32
      %dma_start3A_56 = tpu.memref_slice %arg4[%scan3A_49, %dma_start3A] : memref<80x125xi32, #tpu.memory_space<vmem>> -> memref<1x125xi32, #tpu.memory_space<vmem>>
      %dma_start3A_57 = tpu.memref_squeeze %dma_start3A_56 : memref<1x125xi32, #tpu.memory_space<vmem>> -> memref<125xi32, #tpu.memory_space<vmem>>
      %dma_start3A_58 = arith.constant 0 : i32
      %dma_start3A_59 = arith.constant 0 : i32
      %dma_start3A_60 = tpu.memref_slice %arg7[%dma_start3A_58, %dma_start3A_59] : memref<10080x16xf32, #tpu.memory_space<vmem_shared>> -> memref<10080x16xf32, #tpu.memory_space<vmem_shared>>
      tpu.enqueue_indirect_dma source(%arg5 : memref<125x16xf32, #tpu.memory_space<vmem>>) target(%dma_start3A_60 : memref<10080x16xf32, #tpu.memory_space<vmem_shared>>) offsets(%dma_start3A_57 : memref<125xi32, #tpu.memory_space<vmem>>) semaphore(%arg8 : memref<!tpu.dma_semaphore, #tpu.memory_space<semaphore_mem>>) {add = true}
    }
    %scan3A_33 = arith.constant 72 : i32
    %scan3A_34 = arith.constant 0 : i32
    %scan3A_35 = arith.constant 8 : i32
    %scan3A_36 = arith.addi %scan3A_34, %scan3A_35 : i32
    %scan3A_37 = arith.constant 1 : i32
    scf.for %scan3A_49 = %scan3A_34 to %scan3A_36 step %scan3A_37  : i32 {
      %dma_wait3A = arith.constant 0 : i32
      %dma_wait3A_50 = arith.constant 0 : i32
      %dma_wait3A_51 = tpu.memref_slice %arg4[%dma_wait3A, %dma_wait3A_50] : memref<80x125xi32, #tpu.memory_space<vmem>> -> memref<1x125xi32, #tpu.memory_space<vmem>>
      %dma_wait3A_52 = tpu.memref_squeeze %dma_wait3A_51 : memref<1x125xi32, #tpu.memory_space<vmem>> -> memref<125xi32, #tpu.memory_space<vmem>>
      %dma_wait3A_53 = arith.constant 0 : i32
      %dma_wait3A_54 = arith.constant 0 : i32
      %dma_wait3A_55 = tpu.memref_slice %arg7[%dma_wait3A_53, %dma_wait3A_54] : memref<10080x16xf32, #tpu.memory_space<vmem_shared>> -> memref<10080x16xf32, #tpu.memory_space<vmem_shared>>
      tpu.wait_indirect_dma semaphore(%arg8 : memref<!tpu.dma_semaphore, #tpu.memory_space<semaphore_mem>>) src(%arg5 : memref<125x16xf32, #tpu.memory_space<vmem>>) dst(%dma_wait3A_55 : memref<10080x16xf32, #tpu.memory_space<vmem_shared>>)
    }
    %scan3A_38 = arith.constant 8 : i32
    %barrier3A_39 = arith.constant 0 : index
    tpu.barrier barrier_id(%barrier3A_39)
    %while3A_40 = arith.constant 0 : i32
    %while3A_41 = arith.subi %select_n3A, %while3A_40 : i32
    %while3A_42 = arith.addi %while3A_40, %while3A_41 : i32
    %while3A_43 = arith.constant 1 : i32
    %while3A_44 = arith.divsi %while3A_41, %while3A_43 : i32
    %while3A_45 = arith.muli %while3A_44, %while3A_43 : i32
    %while3A_46 = arith.addi %while3A_40, %while3A_45 : i32
    %while3A_47 = arith.constant 1 : i32
    scf.for %while3A_49 = %while3A_40 to %while3A_46 step %while3A_47  : i32 {
      %mul3A_50 = arith.constant 32 : i32
      %mul3A_51 = arith.muli %while3A_49, %mul3A_50 : i32
      %add3A_52 = arith.addi %mul3A_15, %mul3A_51 : i32
      "tpu.region"() ({
        %run_scoped3A = tpu.sem_alloc : memref<!tpu.dma_semaphore, #tpu.memory_space<semaphore_mem>>
        %dma_start3A = arith.constant 0 : i32
        %dma_start3A_53 = tpu.memref_slice %arg3[%arg0, %add3A_52, %dma_start3A] : memref<2x10080x16xf32, #tpu.memory_space<hbm>> -> memref<1x32x16xf32, #tpu.memory_space<hbm>>
        %dma_start3A_54 = tpu.memref_squeeze %dma_start3A_53 : memref<1x32x16xf32, #tpu.memory_space<hbm>> -> memref<32x16xf32, #tpu.memory_space<hbm>>
        %dma_start3A_55 = arith.constant 0 : i32
        %dma_start3A_56 = tpu.memref_slice %arg7[%add3A_52, %dma_start3A_55] : memref<10080x16xf32, #tpu.memory_space<vmem_shared>> -> memref<32x16xf32, #tpu.memory_space<vmem_shared>>
        tpu.enqueue_dma source(%dma_start3A_56 : memref<32x16xf32, #tpu.memory_space<vmem_shared>>) target(%dma_start3A_54 : memref<32x16xf32, #tpu.memory_space<hbm>>) target_semaphore(%run_scoped3A : memref<!tpu.dma_semaphore, #tpu.memory_space<semaphore_mem>>)
        %dma_wait3A = arith.constant 0 : i32
        %dma_wait3A_57 = tpu.memref_slice %arg3[%arg0, %add3A_52, %dma_wait3A] : memref<2x10080x16xf32, #tpu.memory_space<hbm>> -> memref<1x32x16xf32, #tpu.memory_space<hbm>>
        %dma_wait3A_58 = tpu.memref_squeeze %dma_wait3A_57 : memref<1x32x16xf32, #tpu.memory_space<hbm>> -> memref<32x16xf32, #tpu.memory_space<hbm>>
        %dma_wait3A_59 = arith.constant 0 : i32
        %dma_wait3A_60 = tpu.memref_slice %arg7[%add3A_52, %dma_wait3A_59] : memref<10080x16xf32, #tpu.memory_space<vmem_shared>> -> memref<32x16xf32, #tpu.memory_space<vmem_shared>>
        tpu.wait_dma2 semaphore(%run_scoped3A : memref<!tpu.dma_semaphore, #tpu.memory_space<semaphore_mem>>) src(%dma_wait3A_60 : memref<32x16xf32, #tpu.memory_space<vmem_shared>>) dst(%dma_wait3A_58 : memref<32x16xf32, #tpu.memory_space<hbm>>)
        tpu.yield
      }) : () -> ()
    }
    %while3A_48 = arith.constant 1 : i32
    scf.for %while3A_49 = %while3A_46 to %while3A_42 step %while3A_48  : i32 {
      %mul3A_50 = arith.constant 32 : i32
      %mul3A_51 = arith.muli %while3A_49, %mul3A_50 : i32
      %add3A_52 = arith.addi %mul3A_15, %mul3A_51 : i32
      "tpu.region"() ({
        %run_scoped3A = tpu.sem_alloc : memref<!tpu.dma_semaphore, #tpu.memory_space<semaphore_mem>>
        %dma_start3A = arith.constant 0 : i32
        %dma_start3A_53 = tpu.memref_slice %arg3[%arg0, %add3A_52, %dma_start3A] : memref<2x10080x16xf32, #tpu.memory_space<hbm>> -> memref<1x32x16xf32, #tpu.memory_space<hbm>>
        %dma_start3A_54 = tpu.memref_squeeze %dma_start3A_53 : memref<1x32x16xf32, #tpu.memory_space<hbm>> -> memref<32x16xf32, #tpu.memory_space<hbm>>
        %dma_start3A_55 = arith.constant 0 : i32
        %dma_start3A_56 = tpu.memref_slice %arg7[%add3A_52, %dma_start3A_55] : memref<10080x16xf32, #tpu.memory_space<vmem_shared>> -> memref<32x16xf32, #tpu.memory_space<vmem_shared>>
        tpu.enqueue_dma source(%dma_start3A_56 : memref<32x16xf32, #tpu.memory_space<vmem_shared>>) target(%dma_start3A_54 : memref<32x16xf32, #tpu.memory_space<hbm>>) target_semaphore(%run_scoped3A : memref<!tpu.dma_semaphore, #tpu.memory_space<semaphore_mem>>)
        %dma_wait3A = arith.constant 0 : i32
        %dma_wait3A_57 = tpu.memref_slice %arg3[%arg0, %add3A_52, %dma_wait3A] : memref<2x10080x16xf32, #tpu.memory_space<hbm>> -> memref<1x32x16xf32, #tpu.memory_space<hbm>>
        %dma_wait3A_58 = tpu.memref_squeeze %dma_wait3A_57 : memref<1x32x16xf32, #tpu.memory_space<hbm>> -> memref<32x16xf32, #tpu.memory_space<hbm>>
        %dma_wait3A_59 = arith.constant 0 : i32
        %dma_wait3A_60 = tpu.memref_slice %arg7[%add3A_52, %dma_wait3A_59] : memref<10080x16xf32, #tpu.memory_space<vmem_shared>> -> memref<32x16xf32, #tpu.memory_space<vmem_shared>>
        tpu.wait_dma2 semaphore(%run_scoped3A : memref<!tpu.dma_semaphore, #tpu.memory_space<semaphore_mem>>) src(%dma_wait3A_60 : memref<32x16xf32, #tpu.memory_space<vmem_shared>>) dst(%dma_wait3A_58 : memref<32x16xf32, #tpu.memory_space<hbm>>)
        tpu.yield
      }) : () -> ()
    }
    return
  }
}

#map = affine_map<(d0, d1) -> (0, 0)>
#map1 = affine_map<(d0, d1) -> (0, 0, 0)>
module attributes {stable_mosaic.version = 14 : i64} {
  func.func @agg_kernel(%arg0: i32, %arg1: i32, %arg2: memref<10000x128xf32, #tpu.memory_space<hbm>>, %arg3: memref<2560x125xi32, #tpu.memory_space<hbm>>, %arg4: memref<2560x125xi32, #tpu.memory_space<hbm>>, %arg5: memref<2x10080x128xf32, #tpu.memory_space<hbm>>, %arg6: memref<80x125xi32, #tpu.memory_space<vmem>>, %arg7: memref<8x125xi32, #tpu.memory_space<vmem>>, %arg8: memref<125x128xf32, #tpu.memory_space<vmem>>, %arg9: memref<125x128xf32, #tpu.memory_space<vmem>>, %arg10: memref<32x128xf32, #tpu.memory_space<vmem>>, %arg11: memref<10080x128xf32, #tpu.memory_space<vmem_shared>>, %arg12: memref<!tpu.dma_semaphore, #tpu.memory_space<semaphore_mem>>, %arg13: memref<!tpu.dma_semaphore, #tpu.memory_space<semaphore_mem>>, %arg14: memref<!tpu.dma_semaphore, #tpu.memory_space<semaphore_mem>>, %arg15: memref<!tpu.dma_semaphore, #tpu.memory_space<semaphore_mem>>) attributes {dimension_semantics = [#tpu.dimension_semantics<core_parallel>, #tpu.dimension_semantics<subcore_parallel>], iteration_bounds = array<i64: 2, 16>, scalar_prefetch = 0 : i64, scratch_operands = 10 : i64, tpu.core_type = #tpu.core_type<sc_vector_subcore>, window_params = [{transform_indices = #map}, {transform_indices = #map}, {transform_indices = #map}, {transform_indices = #map1}]} {
    %mul3A = arith.constant 16 : i32
    %mul3A_0 = arith.muli %arg0, %mul3A : i32
    %add3A = arith.addi %mul3A_0, %arg1 : i32
    %mul3A_1 = arith.constant 80 : i32
    %mul3A_2 = arith.muli %add3A, %mul3A_1 : i32
    "tpu.region"() ({
      %run_scoped3A = tpu.sem_alloc : memref<!tpu.dma_semaphore, #tpu.memory_space<semaphore_mem>>
      %dma_start3A = arith.constant 0 : i32
      %dma_start3A_34 = tpu.memref_slice %arg3[%mul3A_2, %dma_start3A] : memref<2560x125xi32, #tpu.memory_space<hbm>> -> memref<80x125xi32, #tpu.memory_space<hbm>>
      %dma_start3A_35 = arith.constant 0 : i32
      %dma_start3A_36 = tpu.memref_slice %arg3[%mul3A_2, %dma_start3A_35] : memref<2560x125xi32, #tpu.memory_space<hbm>> -> memref<80x125xi32, #tpu.memory_space<hbm>>
      tpu.enqueue_dma source(%dma_start3A_36 : memref<80x125xi32, #tpu.memory_space<hbm>>) target(%arg6 : memref<80x125xi32, #tpu.memory_space<vmem>>) target_semaphore(%run_scoped3A : memref<!tpu.dma_semaphore, #tpu.memory_space<semaphore_mem>>)
      %dma_wait3A = arith.constant 0 : i32
      %dma_wait3A_37 = tpu.memref_slice %arg3[%mul3A_2, %dma_wait3A] : memref<2560x125xi32, #tpu.memory_space<hbm>> -> memref<80x125xi32, #tpu.memory_space<hbm>>
      %dma_wait3A_38 = arith.constant 0 : i32
      %dma_wait3A_39 = tpu.memref_slice %arg3[%mul3A_2, %dma_wait3A_38] : memref<2560x125xi32, #tpu.memory_space<hbm>> -> memref<80x125xi32, #tpu.memory_space<hbm>>
      tpu.wait_dma2 semaphore(%run_scoped3A : memref<!tpu.dma_semaphore, #tpu.memory_space<semaphore_mem>>) src(%dma_wait3A_39 : memref<80x125xi32, #tpu.memory_space<hbm>>) dst(%arg6 : memref<80x125xi32, #tpu.memory_space<vmem>>)
      tpu.yield
    }) : () -> ()
    %scan3A = arith.constant 0 : i32
    %scan3A_3 = arith.constant 32 : i32
    %scan3A_4 = arith.addi %scan3A, %scan3A_3 : i32
    %scan3A_5 = arith.constant 1 : i32
    scf.for %scan3A_34 = %scan3A to %scan3A_4 step %scan3A_5  : i32 {
      %scan3A_35 = arith.constant 0 : i32
      %scan3A_36 = arith.constant 8 : i32
      %scan3A_37 = arith.addi %scan3A_35, %scan3A_36 : i32
      %scan3A_38 = arith.constant 1 : i32
      scf.for %scan3A_40 = %scan3A_35 to %scan3A_37 step %scan3A_38  : i32 {
        %broadcast_in_dim3A = arith.constant 0.000000e+00 : f32
        %broadcast_in_dim3A_41 = vector.broadcast %broadcast_in_dim3A : f32 to vector<16xf32>
        %mul3A_42 = arith.constant 16 : i32
        %mul3A_43 = arith.muli %scan3A_40, %mul3A_42 : i32
        %swap3A = arith.index_cast %scan3A_34 : i32 to index
        %swap3A_44 = arith.index_cast %mul3A_43 : i32 to index
        %swap3A_45 = tpu.vector_load %arg10[%swap3A, %swap3A_44] {strides = array<i32>} : memref<32x128xf32, #tpu.memory_space<vmem>>, vector<1x16xf32>,
        %swap3A_46 = vector.shape_cast %swap3A_45 : vector<1x16xf32> to vector<16xf32>
        %swap3A_47 = vector.shape_cast %broadcast_in_dim3A_41 : vector<16xf32> to vector<1x16xf32>
        tpu.vector_store %arg10[%swap3A, %swap3A_44], %swap3A_47 {strides = array<i32>} : memref<32x128xf32, #tpu.memory_space<vmem>>, vector<1x16xf32>,
      }
      %scan3A_39 = arith.constant 8 : i32
    }
    %scan3A_6 = arith.constant 32 : i32
    %lt3A = arith.constant 15 : i32
    %lt3A_7 = arith.cmpi slt, %arg1, %lt3A : i32
    %jit3A = arith.constant 20 : i32
    %jit3A_8 = arith.constant 15 : i32
    %select_n3A = arith.select %lt3A_7, %jit3A, %jit3A_8 : i32
    %mul3A_9 = arith.constant 640 : i32
    %mul3A_10 = arith.muli %arg1, %mul3A_9 : i32
    %while3A = arith.constant 0 : i32
    %while3A_11 = arith.subi %select_n3A, %while3A : i32
    %while3A_12 = arith.addi %while3A, %while3A_11 : i32
    %while3A_13 = arith.constant 1 : i32
    %while3A_14 = arith.divsi %while3A_11, %while3A_13 : i32
    %while3A_15 = arith.muli %while3A_14, %while3A_13 : i32
    %while3A_16 = arith.addi %while3A, %while3A_15 : i32
    %while3A_17 = arith.constant 1 : i32
    scf.for %while3A_34 = %while3A to %while3A_16 step %while3A_17  : i32 {
      %mul3A_35 = arith.constant 32 : i32
      %mul3A_36 = arith.muli %while3A_34, %mul3A_35 : i32
      %add3A_37 = arith.addi %mul3A_10, %mul3A_36 : i32
      "tpu.region"() ({
        %run_scoped3A = tpu.sem_alloc : memref<!tpu.dma_semaphore, #tpu.memory_space<semaphore_mem>>
        %dma_start3A = arith.constant 0 : i32
        %dma_start3A_38 = tpu.memref_slice %arg11[%add3A_37, %dma_start3A] : memref<10080x128xf32, #tpu.memory_space<vmem_shared>> -> memref<32x128xf32, #tpu.memory_space<vmem_shared>>
        %dma_start3A_39 = arith.constant 0 : i32
        %dma_start3A_40 = tpu.memref_slice %arg11[%add3A_37, %dma_start3A_39] : memref<10080x128xf32, #tpu.memory_space<vmem_shared>> -> memref<32x128xf32, #tpu.memory_space<vmem_shared>>
        tpu.enqueue_dma source(%arg10 : memref<32x128xf32, #tpu.memory_space<vmem>>) target(%dma_start3A_40 : memref<32x128xf32, #tpu.memory_space<vmem_shared>>) target_semaphore(%run_scoped3A : memref<!tpu.dma_semaphore, #tpu.memory_space<semaphore_mem>>)
        %dma_wait3A = arith.constant 0 : i32
        %dma_wait3A_41 = tpu.memref_slice %arg11[%add3A_37, %dma_wait3A] : memref<10080x128xf32, #tpu.memory_space<vmem_shared>> -> memref<32x128xf32, #tpu.memory_space<vmem_shared>>
        %dma_wait3A_42 = arith.constant 0 : i32
        %dma_wait3A_43 = tpu.memref_slice %arg11[%add3A_37, %dma_wait3A_42] : memref<10080x128xf32, #tpu.memory_space<vmem_shared>> -> memref<32x128xf32, #tpu.memory_space<vmem_shared>>
        tpu.wait_dma2 semaphore(%run_scoped3A : memref<!tpu.dma_semaphore, #tpu.memory_space<semaphore_mem>>) src(%arg10 : memref<32x128xf32, #tpu.memory_space<vmem>>) dst(%dma_wait3A_43 : memref<32x128xf32, #tpu.memory_space<vmem_shared>>)
        tpu.yield
      }) : () -> ()
    }
    %while3A_18 = arith.constant 1 : i32
    scf.for %while3A_34 = %while3A_16 to %while3A_12 step %while3A_18  : i32 {
      %mul3A_35 = arith.constant 32 : i32
      %mul3A_36 = arith.muli %while3A_34, %mul3A_35 : i32
      %add3A_37 = arith.addi %mul3A_10, %mul3A_36 : i32
      "tpu.region"() ({
        %run_scoped3A = tpu.sem_alloc : memref<!tpu.dma_semaphore, #tpu.memory_space<semaphore_mem>>
        %dma_start3A = arith.constant 0 : i32
        %dma_start3A_38 = tpu.memref_slice %arg11[%add3A_37, %dma_start3A] : memref<10080x128xf32, #tpu.memory_space<vmem_shared>> -> memref<32x128xf32, #tpu.memory_space<vmem_shared>>
        %dma_start3A_39 = arith.constant 0 : i32
        %dma_start3A_40 = tpu.memref_slice %arg11[%add3A_37, %dma_start3A_39] : memref<10080x128xf32, #tpu.memory_space<vmem_shared>> -> memref<32x128xf32, #tpu.memory_space<vmem_shared>>
        tpu.enqueue_dma source(%arg10 : memref<32x128xf32, #tpu.memory_space<vmem>>) target(%dma_start3A_40 : memref<32x128xf32, #tpu.memory_space<vmem_shared>>) target_semaphore(%run_scoped3A : memref<!tpu.dma_semaphore, #tpu.memory_space<semaphore_mem>>)
        %dma_wait3A = arith.constant 0 : i32
        %dma_wait3A_41 = tpu.memref_slice %arg11[%add3A_37, %dma_wait3A] : memref<10080x128xf32, #tpu.memory_space<vmem_shared>> -> memref<32x128xf32, #tpu.memory_space<vmem_shared>>
        %dma_wait3A_42 = arith.constant 0 : i32
        %dma_wait3A_43 = tpu.memref_slice %arg11[%add3A_37, %dma_wait3A_42] : memref<10080x128xf32, #tpu.memory_space<vmem_shared>> -> memref<32x128xf32, #tpu.memory_space<vmem_shared>>
        tpu.wait_dma2 semaphore(%run_scoped3A : memref<!tpu.dma_semaphore, #tpu.memory_space<semaphore_mem>>) src(%arg10 : memref<32x128xf32, #tpu.memory_space<vmem>>) dst(%dma_wait3A_43 : memref<32x128xf32, #tpu.memory_space<vmem_shared>>)
        tpu.yield
      }) : () -> ()
    }
    %barrier3A = arith.constant 0 : index
    tpu.barrier barrier_id(%barrier3A)
    %scan3A_19 = arith.constant 0 : i32
    %scan3A_20 = arith.constant 10 : i32
    %scan3A_21 = arith.addi %scan3A_19, %scan3A_20 : i32
    %scan3A_22 = arith.constant 1 : i32
    scf.for %scan3A_34 = %scan3A_19 to %scan3A_21 step %scan3A_22  : i32 {
      %mul3A_35 = arith.constant 8 : i32
      %mul3A_36 = arith.muli %mul3A_35, %scan3A_34 : i32
      %dma_start3A = arith.constant 0 : i32
      %dma_start3A_37 = tpu.memref_slice %arg6[%mul3A_36, %dma_start3A] : memref<80x125xi32, #tpu.memory_space<vmem>> -> memref<1x125xi32, #tpu.memory_space<vmem>>
      %dma_start3A_38 = tpu.memref_squeeze %dma_start3A_37 : memref<1x125xi32, #tpu.memory_space<vmem>> -> memref<125xi32, #tpu.memory_space<vmem>>
      %dma_start3A_39 = arith.constant 0 : i32
      %dma_start3A_40 = arith.constant 0 : i32
      %dma_start3A_41 = tpu.memref_slice %arg2[%dma_start3A_39, %dma_start3A_40] : memref<10000x128xf32, #tpu.memory_space<hbm>> -> memref<10000x128xf32, #tpu.memory_space<hbm>>
      tpu.enqueue_indirect_dma source(%dma_start3A_41 : memref<10000x128xf32, #tpu.memory_space<hbm>>) target(%arg8 : memref<125x128xf32, #tpu.memory_space<vmem>>) offsets(%dma_start3A_38 : memref<125xi32, #tpu.memory_space<vmem>>) semaphore(%arg12 : memref<!tpu.dma_semaphore, #tpu.memory_space<semaphore_mem>>)
      %add3A_42 = arith.constant 1 : i32
      %add3A_43 = arith.addi %mul3A_36, %add3A_42 : i32
      %dma_start3A_44 = arith.constant 0 : i32
      %dma_start3A_45 = tpu.memref_slice %arg6[%add3A_43, %dma_start3A_44] : memref<80x125xi32, #tpu.memory_space<vmem>> -> memref<1x125xi32, #tpu.memory_space<vmem>>
      %dma_start3A_46 = tpu.memref_squeeze %dma_start3A_45 : memref<1x125xi32, #tpu.memory_space<vmem>> -> memref<125xi32, #tpu.memory_space<vmem>>
      %dma_start3A_47 = arith.constant 0 : i32
      %dma_start3A_48 = arith.constant 0 : i32
      %dma_start3A_49 = tpu.memref_slice %arg2[%dma_start3A_47, %dma_start3A_48] : memref<10000x128xf32, #tpu.memory_space<hbm>> -> memref<10000x128xf32, #tpu.memory_space<hbm>>
      tpu.enqueue_indirect_dma source(%dma_start3A_49 : memref<10000x128xf32, #tpu.memory_space<hbm>>) target(%arg9 : memref<125x128xf32, #tpu.memory_space<vmem>>) offsets(%dma_start3A_46 : memref<125xi32, #tpu.memory_space<vmem>>) semaphore(%arg13 : memref<!tpu.dma_semaphore, #tpu.memory_space<semaphore_mem>>)
      %mul3A_50 = arith.constant 80 : i32
      %mul3A_51 = arith.muli %add3A, %mul3A_50 : i32
      %add3A_52 = arith.addi %mul3A_51, %mul3A_36 : i32
      "tpu.region"() ({
        %run_scoped3A = tpu.sem_alloc : memref<!tpu.dma_semaphore, #tpu.memory_space<semaphore_mem>>
        %dma_start3A_99 = arith.constant 0 : i32
        %dma_start3A_100 = tpu.memref_slice %arg4[%add3A_52, %dma_start3A_99] : memref<2560x125xi32, #tpu.memory_space<hbm>> -> memref<8x125xi32, #tpu.memory_space<hbm>>
        %dma_start3A_101 = arith.constant 0 : i32
        %dma_start3A_102 = tpu.memref_slice %arg4[%add3A_52, %dma_start3A_101] : memref<2560x125xi32, #tpu.memory_space<hbm>> -> memref<8x125xi32, #tpu.memory_space<hbm>>
        tpu.enqueue_dma source(%dma_start3A_102 : memref<8x125xi32, #tpu.memory_space<hbm>>) target(%arg7 : memref<8x125xi32, #tpu.memory_space<vmem>>) target_semaphore(%run_scoped3A : memref<!tpu.dma_semaphore, #tpu.memory_space<semaphore_mem>>)
        %dma_wait3A_103 = arith.constant 0 : i32
        %dma_wait3A_104 = tpu.memref_slice %arg4[%add3A_52, %dma_wait3A_103] : memref<2560x125xi32, #tpu.memory_space<hbm>> -> memref<8x125xi32, #tpu.memory_space<hbm>>
        %dma_wait3A_105 = arith.constant 0 : i32
        %dma_wait3A_106 = tpu.memref_slice %arg4[%add3A_52, %dma_wait3A_105] : memref<2560x125xi32, #tpu.memory_space<hbm>> -> memref<8x125xi32, #tpu.memory_space<hbm>>
        tpu.wait_dma2 semaphore(%run_scoped3A : memref<!tpu.dma_semaphore, #tpu.memory_space<semaphore_mem>>) src(%dma_wait3A_106 : memref<8x125xi32, #tpu.memory_space<hbm>>) dst(%arg7 : memref<8x125xi32, #tpu.memory_space<vmem>>)
        tpu.yield
      }) : () -> ()
      %scan3A_53 = arith.constant 0 : i32
      %scan3A_54 = arith.constant 3 : i32
      %scan3A_55 = arith.addi %scan3A_53, %scan3A_54 : i32
      %scan3A_56 = arith.constant 1 : i32
      scf.for %scan3A_99 = %scan3A_53 to %scan3A_55 step %scan3A_56  : i32 {
        %dma_wait3A_100 = arith.constant 0 : i32
        %dma_wait3A_101 = arith.constant 0 : i32
        %dma_wait3A_102 = tpu.memref_slice %arg6[%dma_wait3A_100, %dma_wait3A_101] : memref<80x125xi32, #tpu.memory_space<vmem>> -> memref<1x125xi32, #tpu.memory_space<vmem>>
        %dma_wait3A_103 = tpu.memref_squeeze %dma_wait3A_102 : memref<1x125xi32, #tpu.memory_space<vmem>> -> memref<125xi32, #tpu.memory_space<vmem>>
        %dma_wait3A_104 = arith.constant 0 : i32
        %dma_wait3A_105 = arith.constant 0 : i32
        %dma_wait3A_106 = tpu.memref_slice %arg2[%dma_wait3A_104, %dma_wait3A_105] : memref<10000x128xf32, #tpu.memory_space<hbm>> -> memref<10000x128xf32, #tpu.memory_space<hbm>>
        tpu.wait_indirect_dma semaphore(%arg12 : memref<!tpu.dma_semaphore, #tpu.memory_space<semaphore_mem>>) src(%dma_wait3A_106 : memref<10000x128xf32, #tpu.memory_space<hbm>>) dst(%arg8 : memref<125x128xf32, #tpu.memory_space<vmem>>)
        %mul3A_107 = arith.constant 2 : i32
        %mul3A_108 = arith.muli %mul3A_107, %scan3A_99 : i32
        %dma_start3A_109 = arith.constant 0 : i32
        %dma_start3A_110 = tpu.memref_slice %arg7[%mul3A_108, %dma_start3A_109] : memref<8x125xi32, #tpu.memory_space<vmem>> -> memref<1x125xi32, #tpu.memory_space<vmem>>
        %dma_start3A_111 = tpu.memref_squeeze %dma_start3A_110 : memref<1x125xi32, #tpu.memory_space<vmem>> -> memref<125xi32, #tpu.memory_space<vmem>>
        %dma_start3A_112 = arith.constant 0 : i32
        %dma_start3A_113 = arith.constant 0 : i32
        %dma_start3A_114 = tpu.memref_slice %arg11[%dma_start3A_112, %dma_start3A_113] : memref<10080x128xf32, #tpu.memory_space<vmem_shared>> -> memref<10080x128xf32, #tpu.memory_space<vmem_shared>>
        tpu.enqueue_indirect_dma source(%arg8 : memref<125x128xf32, #tpu.memory_space<vmem>>) target(%dma_start3A_114 : memref<10080x128xf32, #tpu.memory_space<vmem_shared>>) offsets(%dma_start3A_111 : memref<125xi32, #tpu.memory_space<vmem>>) semaphore(%arg14 : memref<!tpu.dma_semaphore, #tpu.memory_space<semaphore_mem>>) {add = true}
        %dma_wait3A_115 = arith.constant 0 : i32
        %dma_wait3A_116 = arith.constant 0 : i32
        %dma_wait3A_117 = tpu.memref_slice %arg6[%dma_wait3A_115, %dma_wait3A_116] : memref<80x125xi32, #tpu.memory_space<vmem>> -> memref<1x125xi32, #tpu.memory_space<vmem>>
        %dma_wait3A_118 = tpu.memref_squeeze %dma_wait3A_117 : memref<1x125xi32, #tpu.memory_space<vmem>> -> memref<125xi32, #tpu.memory_space<vmem>>
        %dma_wait3A_119 = arith.constant 0 : i32
        %dma_wait3A_120 = arith.constant 0 : i32
        %dma_wait3A_121 = tpu.memref_slice %arg2[%dma_wait3A_119, %dma_wait3A_120] : memref<10000x128xf32, #tpu.memory_space<hbm>> -> memref<10000x128xf32, #tpu.memory_space<hbm>>
        tpu.wait_indirect_dma semaphore(%arg13 : memref<!tpu.dma_semaphore, #tpu.memory_space<semaphore_mem>>) src(%dma_wait3A_121 : memref<10000x128xf32, #tpu.memory_space<hbm>>) dst(%arg9 : memref<125x128xf32, #tpu.memory_space<vmem>>)
        %mul3A_122 = arith.constant 2 : i32
        %mul3A_123 = arith.muli %mul3A_122, %scan3A_99 : i32
        %add3A_124 = arith.constant 1 : i32
        %add3A_125 = arith.addi %mul3A_123, %add3A_124 : i32
        %dma_start3A_126 = arith.constant 0 : i32
        %dma_start3A_127 = tpu.memref_slice %arg7[%add3A_125, %dma_start3A_126] : memref<8x125xi32, #tpu.memory_space<vmem>> -> memref<1x125xi32, #tpu.memory_space<vmem>>
        %dma_start3A_128 = tpu.memref_squeeze %dma_start3A_127 : memref<1x125xi32, #tpu.memory_space<vmem>> -> memref<125xi32, #tpu.memory_space<vmem>>
        %dma_start3A_129 = arith.constant 0 : i32
        %dma_start3A_130 = arith.constant 0 : i32
        %dma_start3A_131 = tpu.memref_slice %arg11[%dma_start3A_129, %dma_start3A_130] : memref<10080x128xf32, #tpu.memory_space<vmem_shared>> -> memref<10080x128xf32, #tpu.memory_space<vmem_shared>>
        tpu.enqueue_indirect_dma source(%arg9 : memref<125x128xf32, #tpu.memory_space<vmem>>) target(%dma_start3A_131 : memref<10080x128xf32, #tpu.memory_space<vmem_shared>>) offsets(%dma_start3A_128 : memref<125xi32, #tpu.memory_space<vmem>>) semaphore(%arg15 : memref<!tpu.dma_semaphore, #tpu.memory_space<semaphore_mem>>) {add = true}
        %dma_wait3A_132 = arith.constant 0 : i32
        %dma_wait3A_133 = arith.constant 0 : i32
        %dma_wait3A_134 = tpu.memref_slice %arg7[%dma_wait3A_132, %dma_wait3A_133] : memref<8x125xi32, #tpu.memory_space<vmem>> -> memref<1x125xi32, #tpu.memory_space<vmem>>
        %dma_wait3A_135 = tpu.memref_squeeze %dma_wait3A_134 : memref<1x125xi32, #tpu.memory_space<vmem>> -> memref<125xi32, #tpu.memory_space<vmem>>
        %dma_wait3A_136 = arith.constant 0 : i32
        %dma_wait3A_137 = arith.constant 0 : i32
        %dma_wait3A_138 = tpu.memref_slice %arg11[%dma_wait3A_136, %dma_wait3A_137] : memref<10080x128xf32, #tpu.memory_space<vmem_shared>> -> memref<10080x128xf32, #tpu.memory_space<vmem_shared>>
        tpu.wait_indirect_dma semaphore(%arg14 : memref<!tpu.dma_semaphore, #tpu.memory_space<semaphore_mem>>) src(%arg8 : memref<125x128xf32, #tpu.memory_space<vmem>>) dst(%dma_wait3A_138 : memref<10080x128xf32, #tpu.memory_space<vmem_shared>>)
        %dma_wait3A_139 = arith.constant 0 : i32
        %dma_wait3A_140 = arith.constant 0 : i32
        %dma_wait3A_141 = tpu.memref_slice %arg7[%dma_wait3A_139, %dma_wait3A_140] : memref<8x125xi32, #tpu.memory_space<vmem>> -> memref<1x125xi32, #tpu.memory_space<vmem>>
        %dma_wait3A_142 = tpu.memref_squeeze %dma_wait3A_141 : memref<1x125xi32, #tpu.memory_space<vmem>> -> memref<125xi32, #tpu.memory_space<vmem>>
        %dma_wait3A_143 = arith.constant 0 : i32
        %dma_wait3A_144 = arith.constant 0 : i32
        %dma_wait3A_145 = tpu.memref_slice %arg11[%dma_wait3A_143, %dma_wait3A_144] : memref<10080x128xf32, #tpu.memory_space<vmem_shared>> -> memref<10080x128xf32, #tpu.memory_space<vmem_shared>>
        tpu.wait_indirect_dma semaphore(%arg15 : memref<!tpu.dma_semaphore, #tpu.memory_space<semaphore_mem>>) src(%arg9 : memref<125x128xf32, #tpu.memory_space<vmem>>) dst(%dma_wait3A_145 : memref<10080x128xf32, #tpu.memory_space<vmem_shared>>)
        %mul3A_146 = arith.constant 2 : i32
        %mul3A_147 = arith.muli %mul3A_146, %scan3A_99 : i32
        %add3A_148 = arith.addi %mul3A_36, %mul3A_147 : i32
        %add3A_149 = arith.constant 2 : i32
        %add3A_150 = arith.addi %add3A_148, %add3A_149 : i32
        %dma_start3A_151 = arith.constant 0 : i32
        %dma_start3A_152 = tpu.memref_slice %arg6[%add3A_150, %dma_start3A_151] : memref<80x125xi32, #tpu.memory_space<vmem>> -> memref<1x125xi32, #tpu.memory_space<vmem>>
        %dma_start3A_153 = tpu.memref_squeeze %dma_start3A_152 : memref<1x125xi32, #tpu.memory_space<vmem>> -> memref<125xi32, #tpu.memory_space<vmem>>
        %dma_start3A_154 = arith.constant 0 : i32
        %dma_start3A_155 = arith.constant 0 : i32
        %dma_start3A_156 = tpu.memref_slice %arg2[%dma_start3A_154, %dma_start3A_155] : memref<10000x128xf32, #tpu.memory_space<hbm>> -> memref<10000x128xf32, #tpu.memory_space<hbm>>
        tpu.enqueue_indirect_dma source(%dma_start3A_156 : memref<10000x128xf32, #tpu.memory_space<hbm>>) target(%arg8 : memref<125x128xf32, #tpu.memory_space<vmem>>) offsets(%dma_start3A_153 : memref<125xi32, #tpu.memory_space<vmem>>) semaphore(%arg12 : memref<!tpu.dma_semaphore, #tpu.memory_space<semaphore_mem>>)
        %mul3A_157 = arith.constant 2 : i32
        %mul3A_158 = arith.muli %mul3A_157, %scan3A_99 : i32
        %add3A_159 = arith.addi %mul3A_36, %mul3A_158 : i32
        %add3A_160 = arith.constant 3 : i32
        %add3A_161 = arith.addi %add3A_159, %add3A_160 : i32
        %dma_start3A_162 = arith.constant 0 : i32
        %dma_start3A_163 = tpu.memref_slice %arg6[%add3A_161, %dma_start3A_162] : memref<80x125xi32, #tpu.memory_space<vmem>> -> memref<1x125xi32, #tpu.memory_space<vmem>>
        %dma_start3A_164 = tpu.memref_squeeze %dma_start3A_163 : memref<1x125xi32, #tpu.memory_space<vmem>> -> memref<125xi32, #tpu.memory_space<vmem>>
        %dma_start3A_165 = arith.constant 0 : i32
        %dma_start3A_166 = arith.constant 0 : i32
        %dma_start3A_167 = tpu.memref_slice %arg2[%dma_start3A_165, %dma_start3A_166] : memref<10000x128xf32, #tpu.memory_space<hbm>> -> memref<10000x128xf32, #tpu.memory_space<hbm>>
        tpu.enqueue_indirect_dma source(%dma_start3A_167 : memref<10000x128xf32, #tpu.memory_space<hbm>>) target(%arg9 : memref<125x128xf32, #tpu.memory_space<vmem>>) offsets(%dma_start3A_164 : memref<125xi32, #tpu.memory_space<vmem>>) semaphore(%arg13 : memref<!tpu.dma_semaphore, #tpu.memory_space<semaphore_mem>>)
      }
      %scan3A_57 = arith.constant 3 : i32
      %dma_wait3A = arith.constant 0 : i32
      %dma_wait3A_58 = arith.constant 0 : i32
      %dma_wait3A_59 = tpu.memref_slice %arg6[%dma_wait3A, %dma_wait3A_58] : memref<80x125xi32, #tpu.memory_space<vmem>> -> memref<1x125xi32, #tpu.memory_space<vmem>>
      %dma_wait3A_60 = tpu.memref_squeeze %dma_wait3A_59 : memref<1x125xi32, #tpu.memory_space<vmem>> -> memref<125xi32, #tpu.memory_space<vmem>>
      %dma_wait3A_61 = arith.constant 0 : i32
      %dma_wait3A_62 = arith.constant 0 : i32
      %dma_wait3A_63 = tpu.memref_slice %arg2[%dma_wait3A_61, %dma_wait3A_62] : memref<10000x128xf32, #tpu.memory_space<hbm>> -> memref<10000x128xf32, #tpu.memory_space<hbm>>
      tpu.wait_indirect_dma semaphore(%arg12 : memref<!tpu.dma_semaphore, #tpu.memory_space<semaphore_mem>>) src(%dma_wait3A_63 : memref<10000x128xf32, #tpu.memory_space<hbm>>) dst(%arg8 : memref<125x128xf32, #tpu.memory_space<vmem>>)
      %dma_start3A_64 = arith.constant 6 : i32
      %dma_start3A_65 = arith.constant 0 : i32
      %dma_start3A_66 = tpu.memref_slice %arg7[%dma_start3A_64, %dma_start3A_65] : memref<8x125xi32, #tpu.memory_space<vmem>> -> memref<1x125xi32, #tpu.memory_space<vmem>>
      %dma_start3A_67 = tpu.memref_squeeze %dma_start3A_66 : memref<1x125xi32, #tpu.memory_space<vmem>> -> memref<125xi32, #tpu.memory_space<vmem>>
      %dma_start3A_68 = arith.constant 0 : i32
      %dma_start3A_69 = arith.constant 0 : i32
      %dma_start3A_70 = tpu.memref_slice %arg11[%dma_start3A_68, %dma_start3A_69] : memref<10080x128xf32, #tpu.memory_space<vmem_shared>> -> memref<10080x128xf32, #tpu.memory_space<vmem_shared>>
      tpu.enqueue_indirect_dma source(%arg8 : memref<125x128xf32, #tpu.memory_space<vmem>>) target(%dma_start3A_70 : memref<10080x128xf32, #tpu.memory_space<vmem_shared>>) offsets(%dma_start3A_67 : memref<125xi32, #tpu.memory_space<vmem>>) semaphore(%arg14 : memref<!tpu.dma_semaphore, #tpu.memory_space<semaphore_mem>>) {add = true}
      %dma_wait3A_71 = arith.constant 0 : i32
      %dma_wait3A_72 = arith.constant 0 : i32
      %dma_wait3A_73 = tpu.memref_slice %arg6[%dma_wait3A_71, %dma_wait3A_72] : memref<80x125xi32, #tpu.memory_space<vmem>> -> memref<1x125xi32, #tpu.memory_space<vmem>>
      %dma_wait3A_74 = tpu.memref_squeeze %dma_wait3A_73 : memref<1x125xi32, #tpu.memory_space<vmem>> -> memref<125xi32, #tpu.memory_space<vmem>>
      %dma_wait3A_75 = arith.constant 0 : i32
      %dma_wait3A_76 = arith.constant 0 : i32
      %dma_wait3A_77 = tpu.memref_slice %arg2[%dma_wait3A_75, %dma_wait3A_76] : memref<10000x128xf32, #tpu.memory_space<hbm>> -> memref<10000x128xf32, #tpu.memory_space<hbm>>
      tpu.wait_indirect_dma semaphore(%arg13 : memref<!tpu.dma_semaphore, #tpu.memory_space<semaphore_mem>>) src(%dma_wait3A_77 : memref<10000x128xf32, #tpu.memory_space<hbm>>) dst(%arg9 : memref<125x128xf32, #tpu.memory_space<vmem>>)
      %dma_start3A_78 = arith.constant 7 : i32
      %dma_start3A_79 = arith.constant 0 : i32
      %dma_start3A_80 = tpu.memref_slice %arg7[%dma_start3A_78, %dma_start3A_79] : memref<8x125xi32, #tpu.memory_space<vmem>> -> memref<1x125xi32, #tpu.memory_space<vmem>>
      %dma_start3A_81 = tpu.memref_squeeze %dma_start3A_80 : memref<1x125xi32, #tpu.memory_space<vmem>> -> memref<125xi32, #tpu.memory_space<vmem>>
      %dma_start3A_82 = arith.constant 0 : i32
      %dma_start3A_83 = arith.constant 0 : i32
      %dma_start3A_84 = tpu.memref_slice %arg11[%dma_start3A_82, %dma_start3A_83] : memref<10080x128xf32, #tpu.memory_space<vmem_shared>> -> memref<10080x128xf32, #tpu.memory_space<vmem_shared>>
      tpu.enqueue_indirect_dma source(%arg9 : memref<125x128xf32, #tpu.memory_space<vmem>>) target(%dma_start3A_84 : memref<10080x128xf32, #tpu.memory_space<vmem_shared>>) offsets(%dma_start3A_81 : memref<125xi32, #tpu.memory_space<vmem>>) semaphore(%arg15 : memref<!tpu.dma_semaphore, #tpu.memory_space<semaphore_mem>>) {add = true}
      %dma_wait3A_85 = arith.constant 0 : i32
      %dma_wait3A_86 = arith.constant 0 : i32
      %dma_wait3A_87 = tpu.memref_slice %arg7[%dma_wait3A_85, %dma_wait3A_86] : memref<8x125xi32, #tpu.memory_space<vmem>> -> memref<1x125xi32, #tpu.memory_space<vmem>>
      %dma_wait3A_88 = tpu.memref_squeeze %dma_wait3A_87 : memref<1x125xi32, #tpu.memory_space<vmem>> -> memref<125xi32, #tpu.memory_space<vmem>>
      %dma_wait3A_89 = arith.constant 0 : i32
      %dma_wait3A_90 = arith.constant 0 : i32
      %dma_wait3A_91 = tpu.memref_slice %arg11[%dma_wait3A_89, %dma_wait3A_90] : memref<10080x128xf32, #tpu.memory_space<vmem_shared>> -> memref<10080x128xf32, #tpu.memory_space<vmem_shared>>
      tpu.wait_indirect_dma semaphore(%arg14 : memref<!tpu.dma_semaphore, #tpu.memory_space<semaphore_mem>>) src(%arg8 : memref<125x128xf32, #tpu.memory_space<vmem>>) dst(%dma_wait3A_91 : memref<10080x128xf32, #tpu.memory_space<vmem_shared>>)
      %dma_wait3A_92 = arith.constant 0 : i32
      %dma_wait3A_93 = arith.constant 0 : i32
      %dma_wait3A_94 = tpu.memref_slice %arg7[%dma_wait3A_92, %dma_wait3A_93] : memref<8x125xi32, #tpu.memory_space<vmem>> -> memref<1x125xi32, #tpu.memory_space<vmem>>
      %dma_wait3A_95 = tpu.memref_squeeze %dma_wait3A_94 : memref<1x125xi32, #tpu.memory_space<vmem>> -> memref<125xi32, #tpu.memory_space<vmem>>
      %dma_wait3A_96 = arith.constant 0 : i32
      %dma_wait3A_97 = arith.constant 0 : i32
      %dma_wait3A_98 = tpu.memref_slice %arg11[%dma_wait3A_96, %dma_wait3A_97] : memref<10080x128xf32, #tpu.memory_space<vmem_shared>> -> memref<10080x128xf32, #tpu.memory_space<vmem_shared>>
      tpu.wait_indirect_dma semaphore(%arg15 : memref<!tpu.dma_semaphore, #tpu.memory_space<semaphore_mem>>) src(%arg9 : memref<125x128xf32, #tpu.memory_space<vmem>>) dst(%dma_wait3A_98 : memref<10080x128xf32, #tpu.memory_space<vmem_shared>>)
    }
    %scan3A_23 = arith.constant 10 : i32
    %barrier3A_24 = arith.constant 0 : index
    tpu.barrier barrier_id(%barrier3A_24)
    %while3A_25 = arith.constant 0 : i32
    %while3A_26 = arith.subi %select_n3A, %while3A_25 : i32
    %while3A_27 = arith.addi %while3A_25, %while3A_26 : i32
    %while3A_28 = arith.constant 1 : i32
    %while3A_29 = arith.divsi %while3A_26, %while3A_28 : i32
    %while3A_30 = arith.muli %while3A_29, %while3A_28 : i32
    %while3A_31 = arith.addi %while3A_25, %while3A_30 : i32
    %while3A_32 = arith.constant 1 : i32
    scf.for %while3A_34 = %while3A_25 to %while3A_31 step %while3A_32  : i32 {
      %mul3A_35 = arith.constant 32 : i32
      %mul3A_36 = arith.muli %while3A_34, %mul3A_35 : i32
      %add3A_37 = arith.addi %mul3A_10, %mul3A_36 : i32
      "tpu.region"() ({
        %run_scoped3A = tpu.sem_alloc : memref<!tpu.dma_semaphore, #tpu.memory_space<semaphore_mem>>
        %dma_start3A = arith.constant 0 : i32
        %dma_start3A_38 = tpu.memref_slice %arg5[%arg0, %add3A_37, %dma_start3A] : memref<2x10080x128xf32, #tpu.memory_space<hbm>> -> memref<1x32x128xf32, #tpu.memory_space<hbm>>
        %dma_start3A_39 = tpu.memref_squeeze %dma_start3A_38 : memref<1x32x128xf32, #tpu.memory_space<hbm>> -> memref<32x128xf32, #tpu.memory_space<hbm>>
        %dma_start3A_40 = arith.constant 0 : i32
        %dma_start3A_41 = tpu.memref_slice %arg11[%add3A_37, %dma_start3A_40] : memref<10080x128xf32, #tpu.memory_space<vmem_shared>> -> memref<32x128xf32, #tpu.memory_space<vmem_shared>>
        tpu.enqueue_dma source(%dma_start3A_41 : memref<32x128xf32, #tpu.memory_space<vmem_shared>>) target(%dma_start3A_39 : memref<32x128xf32, #tpu.memory_space<hbm>>) target_semaphore(%run_scoped3A : memref<!tpu.dma_semaphore, #tpu.memory_space<semaphore_mem>>)
        %dma_wait3A = arith.constant 0 : i32
        %dma_wait3A_42 = tpu.memref_slice %arg5[%arg0, %add3A_37, %dma_wait3A] : memref<2x10080x128xf32, #tpu.memory_space<hbm>> -> memref<1x32x128xf32, #tpu.memory_space<hbm>>
        %dma_wait3A_43 = tpu.memref_squeeze %dma_wait3A_42 : memref<1x32x128xf32, #tpu.memory_space<hbm>> -> memref<32x128xf32, #tpu.memory_space<hbm>>
        %dma_wait3A_44 = arith.constant 0 : i32
        %dma_wait3A_45 = tpu.memref_slice %arg11[%add3A_37, %dma_wait3A_44] : memref<10080x128xf32, #tpu.memory_space<vmem_shared>> -> memref<32x128xf32, #tpu.memory_space<vmem_shared>>
        tpu.wait_dma2 semaphore(%run_scoped3A : memref<!tpu.dma_semaphore, #tpu.memory_space<semaphore_mem>>) src(%dma_wait3A_45 : memref<32x128xf32, #tpu.memory_space<vmem_shared>>) dst(%dma_wait3A_43 : memref<32x128xf32, #tpu.memory_space<hbm>>)
        tpu.yield
      }) : () -> ()
    }
    %while3A_33 = arith.constant 1 : i32
    scf.for %while3A_34 = %while3A_31 to %while3A_27 step %while3A_33  : i32 {
      %mul3A_35 = arith.constant 32 : i32
      %mul3A_36 = arith.muli %while3A_34, %mul3A_35 : i32
      %add3A_37 = arith.addi %mul3A_10, %mul3A_36 : i32
      "tpu.region"() ({
        %run_scoped3A = tpu.sem_alloc : memref<!tpu.dma_semaphore, #tpu.memory_space<semaphore_mem>>
        %dma_start3A = arith.constant 0 : i32
        %dma_start3A_38 = tpu.memref_slice %arg5[%arg0, %add3A_37, %dma_start3A] : memref<2x10080x128xf32, #tpu.memory_space<hbm>> -> memref<1x32x128xf32, #tpu.memory_space<hbm>>
        %dma_start3A_39 = tpu.memref_squeeze %dma_start3A_38 : memref<1x32x128xf32, #tpu.memory_space<hbm>> -> memref<32x128xf32, #tpu.memory_space<hbm>>
        %dma_start3A_40 = arith.constant 0 : i32
        %dma_start3A_41 = tpu.memref_slice %arg11[%add3A_37, %dma_start3A_40] : memref<10080x128xf32, #tpu.memory_space<vmem_shared>> -> memref<32x128xf32, #tpu.memory_space<vmem_shared>>
        tpu.enqueue_dma source(%dma_start3A_41 : memref<32x128xf32, #tpu.memory_space<vmem_shared>>) target(%dma_start3A_39 : memref<32x128xf32, #tpu.memory_space<hbm>>) target_semaphore(%run_scoped3A : memref<!tpu.dma_semaphore, #tpu.memory_space<semaphore_mem>>)
        %dma_wait3A = arith.constant 0 : i32
        %dma_wait3A_42 = tpu.memref_slice %arg5[%arg0, %add3A_37, %dma_wait3A] : memref<2x10080x128xf32, #tpu.memory_space<hbm>> -> memref<1x32x128xf32, #tpu.memory_space<hbm>>
        %dma_wait3A_43 = tpu.memref_squeeze %dma_wait3A_42 : memref<1x32x128xf32, #tpu.memory_space<hbm>> -> memref<32x128xf32, #tpu.memory_space<hbm>>
        %dma_wait3A_44 = arith.constant 0 : i32
        %dma_wait3A_45 = tpu.memref_slice %arg11[%add3A_37, %dma_wait3A_44] : memref<10080x128xf32, #tpu.memory_space<vmem_shared>> -> memref<32x128xf32, #tpu.memory_space<vmem_shared>>
        tpu.wait_dma2 semaphore(%run_scoped3A : memref<!tpu.dma_semaphore, #tpu.memory_space<semaphore_mem>>) src(%dma_wait3A_45 : memref<32x128xf32, #tpu.memory_space<vmem_shared>>) dst(%dma_wait3A_43 : memref<32x128xf32, #tpu.memory_space<hbm>>)
        tpu.yield
      }) : () -> ()
    }
    return
  }
}

module attributes {stable_mosaic.version = 14 : i64} {
  func.func @_tc2_body(%arg0: i32, %arg1: memref<2x1000x128xf32, #tpu.memory_space<vmem>>, %arg2: memref<1000x128xf32, #tpu.memory_space<vmem>>, %arg3: memref<2x1000x16xf32, #tpu.memory_space<vmem>>, %arg4: memref<128xf32, #tpu.memory_space<vmem>>, %arg5: memref<128x128xf32, #tpu.memory_space<vmem>>, %arg6: memref<1000x128xf32, #tpu.memory_space<vmem>>) attributes {dimension_semantics = [#tpu.dimension_semantics<arbitrary>], iteration_bounds = array<i64: 10>, scalar_prefetch = 0 : i64, scratch_operands = 0 : i64, tpu.core_type = #tpu.core_type<tc>, window_params = [{transform_indices = @transform_0, window_bounds = array<i64: 2, 1000, 128>}, {transform_indices = @transform_1, window_bounds = array<i64: 1000, 128>}, {transform_indices = @transform_2, window_bounds = array<i64: 2, 1000, 16>}, {pipeline_mode = #tpu.pipeline_mode<synchronous>, transform_indices = @transform_3, window_bounds = array<i64: 128>}, {pipeline_mode = #tpu.pipeline_mode<synchronous>, transform_indices = @transform_4, window_bounds = array<i64: 128, 128>}, {transform_indices = @transform_5, window_bounds = array<i64: 1000, 128>}]} {
    %get3A = arith.constant 0 : index
    %get3A_0 = arith.constant 0 : index
    %get3A_1 = arith.constant 0 : index
    %get3A_2 = vector.load %arg3[%get3A, %get3A_0, %get3A_1] : memref<2x1000x16xf32, #tpu.memory_space<vmem>>, vector<1x1000x1xf32>
    %get3A_3 = vector.shape_cast %get3A_2 : vector<1x1000x1xf32> to vector<1000x1xf32>
    %get3A_4 = arith.constant 1 : index
    %get3A_5 = arith.constant 0 : index
    %get3A_6 = arith.constant 0 : index
    %get3A_7 = vector.load %arg3[%get3A_4, %get3A_5, %get3A_6] : memref<2x1000x16xf32, #tpu.memory_space<vmem>>, vector<1x1000x1xf32>
    %get3A_8 = vector.shape_cast %get3A_7 : vector<1x1000x1xf32> to vector<1000x1xf32>
    %add3A = arith.addf %get3A_3, %get3A_8 : vector<1000x1xf32>
    %add3A_9 = arith.constant 1.000000e+00 : f32
    %add3A_10 = vector.broadcast %add3A_9 : f32 to vector<1000x1xf32>
    %add3A_11 = arith.addf %add3A, %add3A_10 : vector<1000x1xf32>
    %rsqrt3A = math.rsqrt %add3A_11 : vector<1000x1xf32>
    %get3A_12 = arith.constant 0 : index
    %get3A_13 = arith.constant 0 : index
    %get3A_14 = arith.constant 0 : index
    %get3A_15 = vector.load %arg1[%get3A_12, %get3A_13, %get3A_14] : memref<2x1000x128xf32, #tpu.memory_space<vmem>>, vector<1x1000x128xf32>
    %get3A_16 = vector.shape_cast %get3A_15 : vector<1x1000x128xf32> to vector<1000x128xf32>
    %get3A_17 = arith.constant 1 : index
    %get3A_18 = arith.constant 0 : index
    %get3A_19 = arith.constant 0 : index
    %get3A_20 = vector.load %arg1[%get3A_17, %get3A_18, %get3A_19] : memref<2x1000x128xf32, #tpu.memory_space<vmem>>, vector<1x1000x128xf32>
    %get3A_21 = vector.shape_cast %get3A_20 : vector<1x1000x128xf32> to vector<1000x128xf32>
    %add3A_22 = arith.addf %get3A_16, %get3A_21 : vector<1000x128xf32>
    %get3A_23 = arith.constant 0 : index
    %get3A_24 = arith.constant 0 : index
    %get3A_25 = vector.load %arg2[%get3A_23, %get3A_24] : memref<1000x128xf32, #tpu.memory_space<vmem>>, vector<1000x128xf32>
    %add3A_26 = arith.addf %add3A_22, %get3A_25 : vector<1000x128xf32>
    %mul3A = vector.broadcast %rsqrt3A : vector<1000x1xf32> to vector<1000x128xf32>
    %mul3A_27 = arith.mulf %add3A_26, %mul3A : vector<1000x128xf32>
    %get3A_28 = arith.constant 0 : index
    %get3A_29 = vector.load %arg4[%get3A_28] : memref<128xf32, #tpu.memory_space<vmem>>, vector<128xf32>
    %broadcast_in_dim3A = vector.shape_cast %get3A_29 : vector<128xf32> to vector<1x128xf32>
    %add3A_30 = vector.broadcast %broadcast_in_dim3A : vector<1x128xf32> to vector<1000x128xf32>
    %add3A_31 = arith.addf %mul3A_27, %add3A_30 : vector<1000x128xf32>
    %max3A = arith.constant 0.000000e+00 : f32
    %max3A_32 = vector.broadcast %max3A : f32 to vector<1000x128xf32>
    %max3A_33 = arith.maximumf %add3A_31, %max3A_32 : vector<1000x128xf32>
    %get3A_34 = arith.constant 0 : index
    %get3A_35 = arith.constant 0 : index
    %get3A_36 = vector.load %arg5[%get3A_34, %get3A_35] : memref<128x128xf32, #tpu.memory_space<vmem>>, vector<128x128xf32>
    %dot_general3A = arith.constant dense<0.000000e+00> : vector<1000x128xf32>
    %dot_general3A_37 = tpu.matmul %max3A_33, %get3A_36, %dot_general3A {dimension_numbers = #tpu.dot_dimension_numbers<[1], [0], [0], [1], [0, 0, 1, 1], [], []>, transpose_lhs_hint = false} : vector<1000x128xf32>, vector<128x128xf32>, vector<1000x128xf32> -> vector<1000x128xf32>
    %mul3A_38 = vector.broadcast %rsqrt3A : vector<1000x1xf32> to vector<1000x128xf32>
    %mul3A_39 = arith.mulf %dot_general3A_37, %mul3A_38 : vector<1000x128xf32>
    %swap3A = arith.constant 0 : index
    %swap3A_40 = arith.constant 0 : index
    %swap3A_41 = vector.load %arg6[%swap3A, %swap3A_40] : memref<1000x128xf32, #tpu.memory_space<vmem>>, vector<1000x128xf32>
    tpu.vector_store %arg6[%swap3A, %swap3A_40], %mul3A_39 {strides = array<i32>} : memref<1000x128xf32, #tpu.memory_space<vmem>>, vector<1000x128xf32>,
    return
  }
  func.func @transform_0(%arg0: i32) -> (i32, i32, i32) {
    %c0_i32 = arith.constant 0 : i32
    %c0_i32_0 = arith.constant 0 : i32
    %c0_i32_1 = arith.constant 0 : i32
    return %c0_i32, %arg0, %c0_i32_0 : i32, i32, i32
  }
  func.func @transform_1(%arg0: i32) -> (i32, i32) {
    %c0_i32 = arith.constant 0 : i32
    %c0_i32_0 = arith.constant 0 : i32
    return %arg0, %c0_i32 : i32, i32
  }
  func.func @transform_2(%arg0: i32) -> (i32, i32, i32) {
    %c0_i32 = arith.constant 0 : i32
    %c0_i32_0 = arith.constant 0 : i32
    %c0_i32_1 = arith.constant 0 : i32
    return %c0_i32, %arg0, %c0_i32_0 : i32, i32, i32
  }
  func.func @transform_3(%arg0: i32) -> i32 {
    %c0_i32 = arith.constant 0 : i32
    %c0_i32_0 = arith.constant 0 : i32
    return %c0_i32 : i32
  }
  func.func @transform_4(%arg0: i32) -> (i32, i32) {
    %c0_i32 = arith.constant 0 : i32
    %c0_i32_0 = arith.constant 0 : i32
    %c0_i32_1 = arith.constant 0 : i32
    return %c0_i32, %c0_i32_0 : i32, i32
  }
  func.func @transform_5(%arg0: i32) -> (i32, i32) {
    %c0_i32 = arith.constant 0 : i32
    %c0_i32_0 = arith.constant 0 : i32
    return %arg0, %c0_i32 : i32, i32
  }
}

module attributes {stable_mosaic.version = 14 : i64} {
  func.func @_tc1_body(%arg0: i32, %arg1: memref<1000x128xf32, #tpu.memory_space<vmem>>, %arg2: memref<2x1000x16xf32, #tpu.memory_space<vmem>>, %arg3: memref<128x128xf32, #tpu.memory_space<vmem>>, %arg4: memref<128xf32, #tpu.memory_space<vmem>>, %arg5: memref<128x128xf32, #tpu.memory_space<vmem>>, %arg6: memref<1000x128xf32, #tpu.memory_space<vmem>>) attributes {dimension_semantics = [#tpu.dimension_semantics<arbitrary>], iteration_bounds = array<i64: 10>, scalar_prefetch = 0 : i64, scratch_operands = 0 : i64, tpu.core_type = #tpu.core_type<tc>, window_params = [{transform_indices = @transform_0, window_bounds = array<i64: 1000, 128>}, {transform_indices = @transform_1, window_bounds = array<i64: 2, 1000, 16>}, {pipeline_mode = #tpu.pipeline_mode<synchronous>, transform_indices = @transform_2, window_bounds = array<i64: 128, 128>}, {pipeline_mode = #tpu.pipeline_mode<synchronous>, transform_indices = @transform_3, window_bounds = array<i64: 128>}, {pipeline_mode = #tpu.pipeline_mode<synchronous>, transform_indices = @transform_4, window_bounds = array<i64: 128, 128>}, {transform_indices = @transform_5, window_bounds = array<i64: 1000, 128>}]} {
    %get3A = arith.constant 0 : index
    %get3A_0 = arith.constant 0 : index
    %get3A_1 = arith.constant 0 : index
    %get3A_2 = vector.load %arg2[%get3A, %get3A_0, %get3A_1] : memref<2x1000x16xf32, #tpu.memory_space<vmem>>, vector<1x1000x1xf32>
    %get3A_3 = vector.shape_cast %get3A_2 : vector<1x1000x1xf32> to vector<1000x1xf32>
    %get3A_4 = arith.constant 1 : index
    %get3A_5 = arith.constant 0 : index
    %get3A_6 = arith.constant 0 : index
    %get3A_7 = vector.load %arg2[%get3A_4, %get3A_5, %get3A_6] : memref<2x1000x16xf32, #tpu.memory_space<vmem>>, vector<1x1000x1xf32>
    %get3A_8 = vector.shape_cast %get3A_7 : vector<1x1000x1xf32> to vector<1000x1xf32>
    %add3A = arith.addf %get3A_3, %get3A_8 : vector<1000x1xf32>
    %add3A_9 = arith.constant 1.000000e+00 : f32
    %add3A_10 = vector.broadcast %add3A_9 : f32 to vector<1000x1xf32>
    %add3A_11 = arith.addf %add3A, %add3A_10 : vector<1000x1xf32>
    %rsqrt3A = math.rsqrt %add3A_11 : vector<1000x1xf32>
    %get3A_12 = arith.constant 0 : index
    %get3A_13 = arith.constant 0 : index
    %get3A_14 = vector.load %arg3[%get3A_12, %get3A_13] : memref<128x128xf32, #tpu.memory_space<vmem>>, vector<128x128xf32>
    %get3A_15 = arith.constant 0 : index
    %get3A_16 = arith.constant 0 : index
    %get3A_17 = vector.load %arg5[%get3A_15, %get3A_16] : memref<128x128xf32, #tpu.memory_space<vmem>>, vector<128x128xf32>
    %dot_general3A = arith.constant dense<0.000000e+00> : vector<128x128xf32>
    %dot_general3A_18 = tpu.matmul %get3A_14, %get3A_17, %dot_general3A {dimension_numbers = #tpu.dot_dimension_numbers<[1], [0], [0], [1], [0, 0, 1, 1], [], []>, transpose_lhs_hint = false} : vector<128x128xf32>, vector<128x128xf32>, vector<128x128xf32> -> vector<128x128xf32>
    %get3A_19 = arith.constant 0 : index
    %get3A_20 = vector.load %arg4[%get3A_19] : memref<128xf32, #tpu.memory_space<vmem>>, vector<128xf32>
    %reshape3A = vector.shape_cast %get3A_20 : vector<128xf32> to vector<1x128xf32>
    %get3A_21 = arith.constant 0 : index
    %get3A_22 = arith.constant 0 : index
    %get3A_23 = vector.load %arg5[%get3A_21, %get3A_22] : memref<128x128xf32, #tpu.memory_space<vmem>>, vector<128x128xf32>
    %dot_general3A_24 = arith.constant dense<0.000000e+00> : vector<1x128xf32>
    %dot_general3A_25 = tpu.matmul %reshape3A, %get3A_23, %dot_general3A_24 {dimension_numbers = #tpu.dot_dimension_numbers<[1], [0], [0], [1], [0, 0, 1, 1], [], []>, transpose_lhs_hint = false} : vector<1x128xf32>, vector<128x128xf32>, vector<1x128xf32> -> vector<1x128xf32>
    %get3A_26 = arith.constant 0 : index
    %get3A_27 = arith.constant 0 : index
    %get3A_28 = vector.load %arg1[%get3A_26, %get3A_27] : memref<1000x128xf32, #tpu.memory_space<vmem>>, vector<1000x128xf32>
    %dot_general3A_29 = arith.constant dense<0.000000e+00> : vector<1000x128xf32>
    %dot_general3A_30 = tpu.matmul %get3A_28, %dot_general3A_18, %dot_general3A_29 {dimension_numbers = #tpu.dot_dimension_numbers<[1], [0], [0], [1], [0, 0, 1, 1], [], []>, transpose_lhs_hint = false} : vector<1000x128xf32>, vector<128x128xf32>, vector<1000x128xf32> -> vector<1000x128xf32>
    %add3A_31 = vector.broadcast %dot_general3A_25 : vector<1x128xf32> to vector<1000x128xf32>
    %add3A_32 = arith.addf %dot_general3A_30, %add3A_31 : vector<1000x128xf32>
    %mul3A = vector.broadcast %rsqrt3A : vector<1000x1xf32> to vector<1000x128xf32>
    %mul3A_33 = arith.mulf %add3A_32, %mul3A : vector<1000x128xf32>
    %swap3A = arith.constant 0 : index
    %swap3A_34 = arith.constant 0 : index
    %swap3A_35 = vector.load %arg6[%swap3A, %swap3A_34] : memref<1000x128xf32, #tpu.memory_space<vmem>>, vector<1000x128xf32>
    tpu.vector_store %arg6[%swap3A, %swap3A_34], %mul3A_33 {strides = array<i32>} : memref<1000x128xf32, #tpu.memory_space<vmem>>, vector<1000x128xf32>,
    return
  }
  func.func @transform_0(%arg0: i32) -> (i32, i32) {
    %c0_i32 = arith.constant 0 : i32
    %c0_i32_0 = arith.constant 0 : i32
    return %arg0, %c0_i32 : i32, i32
  }
  func.func @transform_1(%arg0: i32) -> (i32, i32, i32) {
    %c0_i32 = arith.constant 0 : i32
    %c0_i32_0 = arith.constant 0 : i32
    %c0_i32_1 = arith.constant 0 : i32
    return %c0_i32, %arg0, %c0_i32_0 : i32, i32, i32
  }
  func.func @transform_2(%arg0: i32) -> (i32, i32) {
    %c0_i32 = arith.constant 0 : i32
    %c0_i32_0 = arith.constant 0 : i32
    %c0_i32_1 = arith.constant 0 : i32
    return %c0_i32, %c0_i32_0 : i32, i32
  }
  func.func @transform_3(%arg0: i32) -> i32 {
    %c0_i32 = arith.constant 0 : i32
    %c0_i32_0 = arith.constant 0 : i32
    return %c0_i32 : i32
  }
  func.func @transform_4(%arg0: i32) -> (i32, i32) {
    %c0_i32 = arith.constant 0 : i32
    %c0_i32_0 = arith.constant 0 : i32
    %c0_i32_1 = arith.constant 0 : i32
    return %c0_i32, %c0_i32_0 : i32, i32
  }
  func.func @transform_5(%arg0: i32) -> (i32, i32) {
    %c0_i32 = arith.constant 0 : i32
    %c0_i32_0 = arith.constant 0 : i32
    return %arg0, %c0_i32 : i32, i32
  }
}

module attributes {stable_mosaic.version = 14 : i64} {
  func.func @_tc3_body(%arg0: i32, %arg1: memref<2x1000x128xf32, #tpu.memory_space<vmem>>, %arg2: memref<1000x128xf32, #tpu.memory_space<vmem>>, %arg3: memref<2x1000x16xf32, #tpu.memory_space<vmem>>, %arg4: memref<128xf32, #tpu.memory_space<vmem>>, %arg5: memref<1000x128xf32, #tpu.memory_space<vmem>>) attributes {dimension_semantics = [#tpu.dimension_semantics<arbitrary>], iteration_bounds = array<i64: 10>, scalar_prefetch = 0 : i64, scratch_operands = 0 : i64, tpu.core_type = #tpu.core_type<tc>, window_params = [{transform_indices = @transform_0, window_bounds = array<i64: 2, 1000, 128>}, {transform_indices = @transform_1, window_bounds = array<i64: 1000, 128>}, {transform_indices = @transform_2, window_bounds = array<i64: 2, 1000, 16>}, {pipeline_mode = #tpu.pipeline_mode<synchronous>, transform_indices = @transform_3, window_bounds = array<i64: 128>}, {transform_indices = @transform_4, window_bounds = array<i64: 1000, 128>}]} {
    %get3A = arith.constant 0 : index
    %get3A_0 = arith.constant 0 : index
    %get3A_1 = arith.constant 0 : index
    %get3A_2 = vector.load %arg3[%get3A, %get3A_0, %get3A_1] : memref<2x1000x16xf32, #tpu.memory_space<vmem>>, vector<1x1000x1xf32>
    %get3A_3 = vector.shape_cast %get3A_2 : vector<1x1000x1xf32> to vector<1000x1xf32>
    %get3A_4 = arith.constant 1 : index
    %get3A_5 = arith.constant 0 : index
    %get3A_6 = arith.constant 0 : index
    %get3A_7 = vector.load %arg3[%get3A_4, %get3A_5, %get3A_6] : memref<2x1000x16xf32, #tpu.memory_space<vmem>>, vector<1x1000x1xf32>
    %get3A_8 = vector.shape_cast %get3A_7 : vector<1x1000x1xf32> to vector<1000x1xf32>
    %add3A = arith.addf %get3A_3, %get3A_8 : vector<1000x1xf32>
    %add3A_9 = arith.constant 1.000000e+00 : f32
    %add3A_10 = vector.broadcast %add3A_9 : f32 to vector<1000x1xf32>
    %add3A_11 = arith.addf %add3A, %add3A_10 : vector<1000x1xf32>
    %rsqrt3A = math.rsqrt %add3A_11 : vector<1000x1xf32>
    %get3A_12 = arith.constant 0 : index
    %get3A_13 = arith.constant 0 : index
    %get3A_14 = arith.constant 0 : index
    %get3A_15 = vector.load %arg1[%get3A_12, %get3A_13, %get3A_14] : memref<2x1000x128xf32, #tpu.memory_space<vmem>>, vector<1x1000x128xf32>
    %get3A_16 = vector.shape_cast %get3A_15 : vector<1x1000x128xf32> to vector<1000x128xf32>
    %get3A_17 = arith.constant 1 : index
    %get3A_18 = arith.constant 0 : index
    %get3A_19 = arith.constant 0 : index
    %get3A_20 = vector.load %arg1[%get3A_17, %get3A_18, %get3A_19] : memref<2x1000x128xf32, #tpu.memory_space<vmem>>, vector<1x1000x128xf32>
    %get3A_21 = vector.shape_cast %get3A_20 : vector<1x1000x128xf32> to vector<1000x128xf32>
    %add3A_22 = arith.addf %get3A_16, %get3A_21 : vector<1000x128xf32>
    %get3A_23 = arith.constant 0 : index
    %get3A_24 = arith.constant 0 : index
    %get3A_25 = vector.load %arg2[%get3A_23, %get3A_24] : memref<1000x128xf32, #tpu.memory_space<vmem>>, vector<1000x128xf32>
    %add3A_26 = arith.addf %add3A_22, %get3A_25 : vector<1000x128xf32>
    %mul3A = vector.broadcast %rsqrt3A : vector<1000x1xf32> to vector<1000x128xf32>
    %mul3A_27 = arith.mulf %add3A_26, %mul3A : vector<1000x128xf32>
    %get3A_28 = arith.constant 0 : index
    %get3A_29 = vector.load %arg4[%get3A_28] : memref<128xf32, #tpu.memory_space<vmem>>, vector<128xf32>
    %broadcast_in_dim3A = vector.shape_cast %get3A_29 : vector<128xf32> to vector<1x128xf32>
    %add3A_30 = vector.broadcast %broadcast_in_dim3A : vector<1x128xf32> to vector<1000x128xf32>
    %add3A_31 = arith.addf %mul3A_27, %add3A_30 : vector<1000x128xf32>
    %mul3A_32 = arith.mulf %add3A_31, %add3A_31 : vector<1000x128xf32>
    %reduce_sum3A = arith.constant dense<0.000000e+00> : vector<1000xf32>
    %reduce_sum3A_33 = vector.multi_reduction <add>, %mul3A_32, %reduce_sum3A [1] : vector<1000x128xf32> to vector<1000xf32>
    %broadcast_in_dim3A_34 = vector.shape_cast %reduce_sum3A_33 : vector<1000xf32> to vector<1000x1xf32>
    %sqrt3A = math.sqrt %broadcast_in_dim3A_34 : vector<1000x1xf32>
    %max3A = arith.constant 9.99999996E-13 : f32
    %max3A_35 = vector.broadcast %max3A : f32 to vector<1000x1xf32>
    %max3A_36 = arith.maximumf %sqrt3A, %max3A_35 : vector<1000x1xf32>
    %div3A = vector.broadcast %max3A_36 : vector<1000x1xf32> to vector<1000x128xf32>
    %div3A_37 = arith.divf %add3A_31, %div3A : vector<1000x128xf32>
    %swap3A = arith.constant 0 : index
    %swap3A_38 = arith.constant 0 : index
    %swap3A_39 = vector.load %arg5[%swap3A, %swap3A_38] : memref<1000x128xf32, #tpu.memory_space<vmem>>, vector<1000x128xf32>
    tpu.vector_store %arg5[%swap3A, %swap3A_38], %div3A_37 {strides = array<i32>} : memref<1000x128xf32, #tpu.memory_space<vmem>>, vector<1000x128xf32>,
    return
  }
  func.func @transform_0(%arg0: i32) -> (i32, i32, i32) {
    %c0_i32 = arith.constant 0 : i32
    %c0_i32_0 = arith.constant 0 : i32
    %c0_i32_1 = arith.constant 0 : i32
    return %c0_i32, %arg0, %c0_i32_0 : i32, i32, i32
  }
  func.func @transform_1(%arg0: i32) -> (i32, i32) {
    %c0_i32 = arith.constant 0 : i32
    %c0_i32_0 = arith.constant 0 : i32
    return %arg0, %c0_i32 : i32, i32
  }
  func.func @transform_2(%arg0: i32) -> (i32, i32, i32) {
    %c0_i32 = arith.constant 0 : i32
    %c0_i32_0 = arith.constant 0 : i32
    %c0_i32_1 = arith.constant 0 : i32
    return %c0_i32, %arg0, %c0_i32_0 : i32, i32, i32
  }
  func.func @transform_3(%arg0: i32) -> i32 {
    %c0_i32 = arith.constant 0 : i32
    %c0_i32_0 = arith.constant 0 : i32
    return %c0_i32 : i32
  }
  func.func @transform_4(%arg0: i32) -> (i32, i32) {
    %c0_i32 = arith.constant 0 : i32
    %c0_i32_0 = arith.constant 0 : i32
    return %arg0, %c0_i32 : i32, i32
  }
}

</mosaic_0001>

<sc_bundles>
// kernel: kernel.11.cloned.1.call-start
scs
__scs_entry_jumppad:
0x0: {  	(pc) =	sbr.rel $0x88, $3  }
0x1: {  	(tag) =	ssettag $0x0;
	lr =	simm.s32 $0x1  }
0x2: {  	[smem:$0x3F99] =	sst lr;
	_ =	strace $0xD0000000  }
0x3: {  	_ = 	snop  }
0x4: {  	_ = 	snop  }
0x5: {  	_ = 	snop  }
0x6: {  	_ = 	snop  }
0x7: {  	_ = 	snop  }
__scs_overlays_trampoline_lowered:
0x8: {  	[smem:$0x3FA8] =	sst s0  }
0x9: {  	[smem:$0x3FA9] =	sst s1  }
0xa: {  	[smem:$0x3FAA] =	sst s2  }
0xb: {  	[smem:$0x3FAB] =	sst s3  }
0xc: {  	[smem:$0x3FAC] =	sst s4  }
0xd: {  	[smem:$0x3FAD] =	sst s5  }
0xe: {  	[smem:$0x3FAE] =	sst s6  }
0xf: {  	[smem:$0x3FAF] =	sst s7  }
0x10: {  	[smem:$0x3FB0] =	sst s8  }
0x11: {  	[smem:$0x3FB1] =	sst s9;
	s0 =	simm.s32 @!p0 $0x0  }
0x12: {  	s1 =	sld [smem:$0x3F97];
	s0 =	simm.s32 @p0 $0x1  }
0x13: {  	[smem:$0x3FB2] =	sst s0;
	s0 =	simm.s32 @!p1 $0x0  }
0x14: {  	s2 =	sld [smem:$0x3F96];
	s0 =	simm.s32 @p1 $0x1  }
0x15: {  	[smem:$0x3FB3] =	sst s0;
	s0 =	simm.s32 @!p2 $0x0  }
0x16: {  	s3 =	sld [smem:$0x3FDB];
	s0 =	simm.s32 @p2 $0x1  }
0x17: {  	s4 =	simm.s32 $0x1BF5;
	[smem:$0x3FB5] =	sst s0  }
0x18: {  	s0 =	sld [smem:$0x3F98];
	_ =	swait.ge [sflag:s4], $0x0  }
0x19: {  	s7 =	sld [smem:$0x3F99]  }
0x1a: {  	s8 =	sadd.s32 $0xFFFFE003, lr  }
0x1b: {  	s9 =	sadd.s32 $0xFFFFFEF7, lr;
	s5 =	simm.s32 $0xFFFFFFFF;
	p2 =	slt.u32 s8, $0xFFFFF086  }
0x1c: {  	p1 =	slt.u32 s9, $0xF7A;
	s5 =	simm.s32 @!p2 $0x0  }
0x1d: {  	s5 =	simm.s32 @p1 $0x1;
	p0 =	seq.s32 s7, s2  }
0x1e: {  	s7 =	smul.u32 @!p0 $0xF7A, s2;
	p2 =	seq.s32 @!p0 s5, $0x0  }
0x1f: {  	s9 =	smul.u32 $0xF7A, s1;
	s8 =	simm.s32 @!p0 $0x1BF5;
	p2 =	por !p2, p0  }
0x20: {  	[sflag:s8] =	ssyncset.s32 @!p0 $0xFFFFF086;
	s6 =	sadd.s32 @!p0 s3, s7;
	s7 =	simm.s32 @!p0 $0x108  }
0x21: {  	s3 =	sadd.s32 s3, s9;
	s6 =	sadd.s32 @!p0 $0x88, s6;
	s7 =	simm.s32 @p2 $0x1082  }
0x22: {  	[simem:s7], [sflag:s8] =	dma.local @!p0 [hbm:s6], $0xF7A  }
0x23: {  	s9 =	sor.u32 $0xD0000000, s2;
	s6 =	simm.s32 $0x108;
	_ =	swait.ge @!p0 [sflag:s8], $0x0  }
0x24: {  	s3 =	sadd.s32 $0x88, s3;
	s6 =	simm.s32 @!p1 $0x1082;
	[sflag:s4] =	ssyncset.s32 $0xFFFFF086  }
0x25: {  	[simem:s6], [sflag:s4] =	dma.local [hbm:s3], $0xF7A  }
0x26: {  	[smem:$0x3F99] =	sst s1;
	(tag) =	ssettag s2;
	_ =	strace s9  }
0x27: {  	s1 =	sld [smem:$0x3FA9]  }
0x28: {  	s2 =	sld [smem:$0x3FAA]  }
0x29: {  	s4 =	sld [smem:$0x3FAC]  }
0x2a: {  	p0 =	seq.s32 s5, $0x0;
	s5 =	sld [smem:$0x3FAD]  }
0x2b: {  	s6 =	sld [smem:$0x3FAE]  }
0x2c: {  	s7 =	sld [smem:$0x3FAF]  }
0x2d: {  	s3 =	simm.s32 $0x108;
	s8 =	sld [smem:$0x3FB0]  }
0x2e: {  	s3 =	simm.s32 @!p0 $0x1082;
	s9 =	sld [smem:$0x3FB1]  }
0x2f: {  	lr =	sadd.s32 s0, s3;
	s0 =	sld [smem:$0x3FA8]  }
0x30: {  	s3 =	sld [smem:$0x3FAB]  }
0x31: {  	[smem:$0x3FB4] =	sst s10  }
0x32: {  	s10 =	sld [smem:$0x3FB2];
	_ =	sdelay $0x3  }
0x33: {  	p0 =	seq.s32 s10, $0x1;
	s10 =	sld [smem:$0x3FB4];
	_ =	sdelay $0x3  }
0x34: {  	[smem:$0x3FB4] =	sst s10  }
0x35: {  	s10 =	sld [smem:$0x3FB3];
	_ =	sdelay $0x3  }
0x36: {  	p1 =	seq.s32 s10, $0x1;
	s10 =	sld [smem:$0x3FB4];
	_ =	sdelay $0x3  }
0x37: {  	[smem:$0x3FB4] =	sst s10  }
0x38: {  	s10 =	sld [smem:$0x3FB5]  }
0x39: {  	_ = 	snop;
	(pc) =	sbr.ind lr, $3  }
0x3a: {  	_ = 	snop  }
0x3b: {  	_ = 	snop  }
0x3c: {  	p2 =	seq.s32 s10, $0x1;
	s10 =	sld [smem:$0x3FB4]  }
0x3d: {  	_ =	shalt  }
0x3e: {  	_ =	shalt  }
0x3f: {  	_ =	shalt  }
0x40: {  	_ =	shalt  }
0x41: {  	_ =	shalt  }
0x42: {  	_ =	shalt  }
0x43: {  	_ =	shalt  }
0x44: {  	_ =	shalt  }
0x45: {  	_ =	shalt  }
0x46: {  	_ =	shalt  }
0x47: {  	_ =	shalt  }
0x48: {  	_ =	shalt  }
0x49: {  	_ =	shalt  }
0x4a: {  	_ =	shalt  }
0x4b: {  	_ =	shalt  }
0x4c: {  	_ =	shalt  }
0x4d: {  	_ =	shalt  }
0x4e: {  	_ =	shalt  }
0x4f: {  	_ =	shalt  }
0x50: {  	_ =	shalt  }
0x51: {  	_ =	shalt  }
0x52: {  	_ =	shalt  }
0x53: {  	_ =	shalt  }
0x54: {  	_ =	shalt  }
0x55: {  	_ =	shalt  }
0x56: {  	_ =	shalt  }
0x57: {  	_ =	shalt  }
0x58: {  	_ =	shalt  }
0x59: {  	_ =	shalt  }
0x5a: {  	_ =	shalt  }
0x5b: {  	_ =	shalt  }
0x5c: {  	_ =	shalt  }
0x5d: {  	_ =	shalt  }
0x5e: {  	_ =	shalt  }
0x5f: {  	_ =	shalt  }
0x60: {  	_ =	shalt  }
0x61: {  	_ =	shalt  }
0x62: {  	_ =	shalt  }
0x63: {  	_ =	shalt  }
0x64: {  	_ =	shalt  }
0x65: {  	_ =	shalt  }
0x66: {  	_ =	shalt  }
0x67: {  	_ =	shalt  }
0x68: {  	_ =	shalt  }
0x69: {  	_ =	shalt  }
0x6a: {  	_ =	shalt  }
0x6b: {  	_ =	shalt  }
0x6c: {  	_ =	shalt  }
0x6d: {  	_ =	shalt  }
0x6e: {  	_ =	shalt  }
0x6f: {  	_ =	shalt  }
0x70: {  	_ =	shalt  }
0x71: {  	_ =	shalt  }
0x72: {  	_ =	shalt  }
0x73: {  	_ =	shalt  }
0x74: {  	_ =	shalt  }
0x75: {  	_ =	shalt  }
0x76: {  	_ =	shalt  }
0x77: {  	_ =	shalt  }
0x78: {  	_ =	shalt  }
0x79: {  	_ =	shalt  }
0x7a: {  	_ =	shalt  }
0x7b: {  	_ =	shalt  }
0x7c: {  	_ =	shalt  }
0x7d: {  	_ =	shalt  }
0x7e: {  	_ =	shalt  }
0x7f: {  	_ =	shalt  }
0x80: {  	_ =	shalt  }
0x81: {  	_ =	shalt  }
0x82: {  	_ =	shalt  }
0x83: {  	_ =	shalt  }
0x84: {  	_ =	shalt  }
0x85: {  	_ =	shalt  }
0x86: {  	_ =	shalt  }
0x87: {  	_ =	shalt  }
.Lfunc_end0:
.L_simem_size_0:
called_computation.1_lowered:
.L_overlay_start_0:
0x88: {  	s2 =	sld [smem:$0x3FD9]  }
0x89: {  	s3 =	sld [smem:$0x3FFE];
	_ =	sdelay $0x1  }
0x8a: {  	s1 =	srdreg.scid  }
0x8b: {  	s0 =	sand.u32 $0x1, s1  }
0x8c: {  	s17 =	sshll.u32 s0, $0xA;
	s2 =	sadd.s32 s3, s2  }
0x8d: {  	s2 =	sadd.s32 s2, s17  }
0x8e: {  	[smem:$0x3FC0] =	sst s2  }
0x8f: {  	_ = 	snop  }
0x90: {  	s2 =	sld [smem:$0x3FD0];
	(tm) =	ssettm $0x1  }
0x91: {  	s18 =	sld [smem:$0x3FFB];
	_ =	sdelay $0x3  }
0x92: {  	_ =	strace s18  }
0x93: {  	s3 =	sld [smem:$0x3FFC];
	_ =	sdelay $0x3  }
0x94: {  	_ =	strace s3  }
0x95: {  	s3 =	sld [smem:$0x3FFD];
	_ =	sdelay $0x3  }
0x96: {  	_ =	strace s3  }
0x97: {  	_ =	strace $0x8FFFFFFF  }
0x98: {  	s19 =	sld [smem:$0x3FDB];
	_ =	sdelay $0x1  }
0x99: {  	s4 =	simm.s32 $_scs_section_size  }
0x9a: {  	s5 =	simm.s32 $_size__tile_overlayer_lowered;
	s6 =	simm.s32 $_tile_overlayer_lowered  }
0x9b: {  	s22 =	simm.s32 $0x1BFF;
	s21 =	sshll.u32 s6, $0x1;
	s3 =	sadd.s32 s4, s19  }
0x9c: {  	s7 =	simm.s32 $0x0;
	s20 =	sshll.u32 s5, $0x1;
	s5 =	sadd.s32 s21, s3  }
0x9d: {  	[timem:s7], [sflag:s22] =	dma.local [hbm:s5], s20  }
0x9e: {  	_ =	swait.ge [sflag:s22], s20  }
0x9f: {  	s4 =	ssub.s32 $0x0, s20;
	[sflag:s22] =	ssyncset.done $0x0  }
0xa0: {  	[sflag:s22] =	ssyncadd.s32 s4;
	_ =	sdelay $0x1  }
0xa1: {  	s23 =	simm.s32 $0x1B8B  }
0xa2: {  	_ =	swait.ge [sflag:s23], $0x1  }
0xa3: {  	[sflag:s23] =	ssyncset.done $0x0  }
0xa4: {  	s25 =	simm.s32 $0x1B8E;
	s24 =	sld [smem:$0x3FFE];
	[sflag:s23] =	ssyncadd.s32 $0xFFFFFFFF  }
0xa5: {  	s26 =	simm.s32 $execute0_lowered;
	[smem:$0x3FD2] =	sst s25  }
0xa6: {  	s5 =	sshll.u32 s26, $0x1;
	_ =	strace $0x80000049;
	[dreg:$0x1] =	wrdreg $0xFFFFFFFF  }
0xa7: {  	s28 =	simm.s32 $_size_execute0_lowered;
	s3 =	sadd.s32 s3, s5;
	[dreg:$0x0] =	wrdreg $0x0  }
0xa8: {  	s5 =	sshll.u32 s28, $0x1;
	[dreg:$0x2] =	wrdreg s3  }
0xa9: {  	[dreg:$0x3] =	wrdreg s5  }
0xaa: {  	[dreg:$0x4] =	wrdreg $0xC0  }
0xab: {  	_ =	task [dreg:s7], $0x5FFFF  }
0xac: {  	[dreg:$0x1] =	wrdreg $0xFFFFFFFF  }
0xad: {  	[dreg:$0x0] =	wrdreg $0x60  }
0xae: {  	[dreg:$0x2] =	wrdreg s2  }
0xaf: {  	[dreg:$0x3] =	wrdreg s24  }
0xb0: {  	[dreg:$0x4] =	wrdreg $0xBC000  }
0xb1: {  	[dreg:$0x5] =	wrdreg $0x9  }
0xb2: {  	_ =	task.clear_ibuf [dreg:s7], $0x6FFFF;
	_ =	strace $0x90000049  }
0xb3: {  	s29 =	simm.s32 $0x9;
	_ =	strace $0x8000004B  }
0xb4: {  	_ =	swait.ge [sflag:s29], $0x1  }
0xb5: {  	[sflag:s29] =	ssyncadd.s32 $0xFFFFFFFF  }
0xb6: {  	_ =	strace $0x9000004B  }
0xb7: {  	_ =	sfence  }
0xb8: {  	s30 =	sld [smem:$0x0];
	_ =	sdelay $0x2  }
0xb9: {  	s31 =	sshll.u32 s1, $0xD;
	s1 =	sshrl.u32 s1, $0x2  }
0xba: {  	s3 =	sand.u32 $0x4000, s31;
	s1 =	sadd.s32 s1, s30  }
0xbb: {  	s0 =	sor.u32 s3, s0;
	s1 =	sshll.u32 s1, $0x11  }
0xbc: {  	s0 =	sor.u32 s1, s0  }
0xbd: {  	s0 =	sadd.s32 $0x8F2B, s0  }
0xbe: {  	[sflag:s0] =	ssyncadd.remote.s32 $0x1  }
0xbf: {  	_ =	sfence.sel $0xFFFF  }
0xc0: {  	[dreg:$0x0] =	wrdreg $0xFFFFFFFF;
	(pc) =	sbr.abs _section_cstart, $3  }
0xc1: {  	[dreg:$0x1] =	wrdreg $0xFFFFFFFF  }
0xc2: {  	_ =	task.clear_ibuf [dreg:s7], $0x2FFFF;
	_ =	strace $0x9FFFFFFF  }
0xc3: {  	(tm) =	ssettm $0x7FFFFFFF  }
tec
execute0_lowered:
.L_overlay_start_1:
0x0: {  	(tag) =	ssettag $0x1  }
0x1: {  	s2 =	rddreg [dreg:$0x0]  }
0x2: {  	s0 =	srdreg.scid;
	s5 =	rddreg [dreg:$0x1]  }
0x3: {  	s9 =	stileid.u32;
	s3 =	rddreg [dreg:$0x2];
	s4 =	simm.s32 $0x0  }
0x4: {  	s11 =	simm.s32 $0x5;
	s12 =	simm.s32 $0xAC00;
	s13 =	simm.s32 $0x7D  }
0x5: {  	s14 =	simm.s32 $0x2C00;
	s15 =	simm.s32 $0x6C00;
	s16 =	simm.s32 $0x2800  }
0x6: {  	s17 =	simm.s32 $0x1;
	s18 =	simm.s32 $0x2;
	s19 =	simm.s32 $0x2880  }
0x7: {  	s20 =	simm.s32 $0x3;
	s21 =	simm.s32 $0x4;
	s22 =	simm.s32 $0x2900  }
0x8: {  	s23 =	simm.s32 $0x2980;
	s24 =	simm.s32 $0x2A00;
	s7 =	smul.u32 $0x14000, s9  }
0x9: {  	s25 =	simm.s32 $0x2A80;
	s28 =	simm.s32 $0x2B80;
	s30 =	smul.u32 $0x50000, s9  }
0xa: {  	s29 =	simm.s32 $0x0;
	s0 =	sand.u32 $0x1, s0;
	s31 =	smul.u32 $0x500, s9  }
0xb: {  	[smem:$0x7FF] =	sst s4;
	p0 =	seq.s32 s9, $0xF;
	s6 =	smul.u32 $0x13B000, s0  }
0xc: {  	s1 =	sshll.u32 s0, $0x4;
	s8 =	smul.u32 $0x5000, s0;
	s0 =	ssub.s32 $0x2, s0  }
0xd: {  	_ =	strace $0x8000004A;
	s1 =	sor.u32 s9, s1;
	s26 =	sshrl.u32 s0, $0x1  }
0xe: {  	s1 =	smul.u32 $0x500, s1;
	s6 =	sadd.s32 s7, s6;
	s8 =	sadd.s32 s8, s5  }
0xf: {  	s0 =	ssub.s32 s0, s26;
	s7 =	sshrl.u32 s30, $0x2;
	s26 =	simm.s32 $0x2B00  }
0x10: {  	s6 =	sshrl.u32 s6, $0x3;
	s7 =	sadd.s32 s7, s3;
	s1 =	sadd.s32 s1, s5  }
0x11: {  	s5 =	sadd.s32 s6, s5;
	s6 =	simm.s32 $0xF;
	s1 =	sadd.s32 $0x5B200, s1  }
0x12: {  	s6 =	simm.s32 @!p0 $0x14;
	[dreg:$0x4] =	wrdreg s1;
	s1 =	sadd.s32 s31, s8  }
0x13: {  	v0 =	vimm.f32 $0.0e+00;
	s10 =	sadd.s32 $0x65200, s5;
	s8 =	smax.u32 s0, $0x1;
	s9 =	sadd.s32 $0x2600, s1  }
.LBB2_1:
0x14: {  	s0 =	rddreg [dreg:$0x4]  }
0x15: {  	[tilespmem:s4], [sflag:$0x5] =	stream.linear.gather [hbm4b:s0+s4], $0x2800, $0x38;
	[tilespmem:$0x1F700] =	vst v63  }
0x16: {  	_ =	swait.ge [sflag:s11], $0x2800  }
0x17: {  	[sflag:s11] =	ssyncset.done $0x0  }
0x18: {  	s1 =	simm.s32 $0x200;
	s0 =	simm.s32 $0x0;
	[sflag:s11] =	ssyncadd.s32 $0xFFFFD800  }
.LBB2_2:
0x19: {  	p0 =	sne.s32 s1, $0x3E00;
	[tilespmem:s0+$0xAC70] =	vst v0  }
0x1a: {  	[tilespmem:s0+$0xAC00] =	vst v0  }
0x1b: {  	[tilespmem:s0+$0xAC10] =	vst v0  }
.Ltmp0:
0x1c: {  	[tilespmem:s0+$0xAC20] =	vst v0;
	(pc) =	sbr.rel @p0 .LBB2_2-.Ltmp0, $4  }
0x1d: {  	[tilespmem:s0+$0xAC30] =	vst v0  }
0x1e: {  	[tilespmem:s0+$0xAC40] =	vst v0  }
0x1f: {  	[tilespmem:s0+$0xAC50] =	vst v0  }
0x20: {  	[tilespmem:s0+$0xAC60] =	vst v0;
	s0 =	sshra.s32 s1, $0x2;
	s1 =	sadd.s32 $0x200, s1  }
0x21: {  	[tilespmem:s0+$0xAC70] =	vst v0  }
0x22: {  	[tilespmem:s0+$0xAC00] =	vst v0  }
0x23: {  	[tilespmem:s0+$0xAC10] =	vst v0  }
0x24: {  	[tilespmem:s0+$0xAC20] =	vst v0  }
0x25: {  	[tilespmem:s0+$0xAC30] =	vst v0  }
0x26: {  	[tilespmem:s0+$0xAC40] =	vst v0;
	p0 =	sne.s32 s6, $0x1  }
.Ltmp1:
0x27: {  	[tilespmem:s0+$0xAC50] =	vst v0;
	(pc) =	sbr.rel @!p0 .LBB2_5-.Ltmp1, $4  }
0x28: {  	[tilespmem:s0+$0xAC60] =	vst v0  }
0x29: {  	[spmem:s7] =	stream.linear.scatter [tilespmem:s12], [sflag:$0x5], $0x1000, $0x38;
	[tilespmem:$0x1F700] =	vst v63  }
0x2a: {  	_ =	swait.ge [sflag:s11], $0x1000  }
0x2b: {  	s0 =	sadd.s32 $0xFFFFFFFF, s6;
	s1 =	smov.u32 s7;
	[sflag:s11] =	ssyncset.done $0x0  }
.LBB2_4:
0x2c: {  	p1 =	sne.s32 s0, $0x1;
	[sflag:s11] =	ssyncadd.s32 $0xFFFFF000;
	s1 =	sadd.s32 $0x1000, s1  }
.Ltmp2:
0x2d: {  	s0 =	sadd.s32 $0xFFFFFFFF, s0;
	(pc) =	sbr.rel @p1 .LBB2_4-.Ltmp2, $4  }
0x2e: {  	_ = 	snop  }
0x2f: {  	[spmem:s1] =	stream.linear.scatter [tilespmem:s12], [sflag:$0x5], $0x1000, $0x38;
	[tilespmem:$0x1F700] =	vst v63  }
0x30: {  	_ =	swait.ge [sflag:s11], $0x1000  }
0x31: {  	[sflag:s11] =	ssyncset.done $0x0  }
.LBB2_5:
0x32: {  	[sflag:s11] =	ssyncadd.s32 $0xFFFFF000  }
0x33: {  	s0 =	simm.s32 $0x0;
	[bflag:$0x0] =	sbarrier.arrive $0xFFFF  }
0x34: {  	[tilespmem:s14], [sflag:$0x1] =	stream.indirect.gather [hbm4b:s2+s13], $0x80, s0, s13, $0xb8;
	[tilespmem:$0x1F700] =	vst v63  }
0x35: {  	s5 =	simm.s32 $0x80  }
0x36: {  	[tilespmem:s15], [sflag:$0x2] =	stream.indirect.gather [hbm4b:s2+s13], $0x80, s5, s13, $0xb8;
	[tilespmem:$0x1F700] =	vst v63  }
0x37: {  	_ = 	snop  }
0x38: {  	[tilespmem:s16], [sflag:$0x5] =	stream.linear.gather [hbm4b:s9+s4], $0x400, $0x38;
	[tilespmem:$0x1F700] =	vst v63  }
0x39: {  	_ =	swait.ge [sflag:s11], $0x400  }
0x3a: {  	[sflag:s11] =	ssyncset.done $0x0  }
0x3b: {  	[sflag:s11] =	ssyncadd.s32 $0xFFFFFC00  }
0x3c: {  	_ =	swait.ge [sflag:s17], $0x3E80  }
0x3d: {  	[sflag:s17] =	ssyncset.done $0x0  }
0x3e: {  	[sflag:s17] =	ssyncadd.s32 $0xFFFFC180  }
0x3f: {  	[spmem:s3] =	stream.indirect.scatter.add.f32 [tilespmem:s14], [sflag:$0x3], $0x80, s16, s13, $0xb8;
	[tilespmem:$0x1F700] =	vst v63  }
0x40: {  	_ =	swait.ge [sflag:s18], $0x3E80  }
0x41: {  	[sflag:s18] =	ssyncset.done $0x0  }
0x42: {  	[sflag:s18] =	ssyncadd.s32 $0xFFFFC180  }
0x43: {  	[spmem:s3] =	stream.indirect.scatter.add.f32 [tilespmem:s15], [sflag:$0x4], $0x80, s19, s13, $0xb8;
	[tilespmem:$0x1F700] =	vst v63  }
0x44: {  	_ =	swait.ge [sflag:s20], $0x3E80  }
0x45: {  	[sflag:s20] =	ssyncset.done $0x0  }
0x46: {  	[sflag:s20] =	ssyncadd.s32 $0xFFFFC180  }
0x47: {  	_ =	swait.ge [sflag:s21], $0x3E80  }
0x48: {  	[sflag:s21] =	ssyncset.done $0x0  }
0x49: {  	s1 =	simm.s32 $0x100;
	[sflag:s21] =	ssyncadd.s32 $0xFFFFC180  }
0x4a: {  	[tilespmem:s14], [sflag:$0x1] =	stream.indirect.gather [hbm4b:s2+s13], $0x80, s1, s13, $0xb8;
	[tilespmem:$0x1F700] =	vst v63  }
0x4b: {  	s5 =	simm.s32 $0x180  }
0x4c: {  	[tilespmem:s15], [sflag:$0x2] =	stream.indirect.gather [hbm4b:s2+s13], $0x80, s5, s13, $0xb8;
	[tilespmem:$0x1F700] =	vst v63  }
0x4d: {  	_ =	swait.ge [sflag:s17], $0x3E80  }
0x4e: {  	[sflag:s17] =	ssyncset.done $0x0  }
0x4f: {  	[sflag:s17] =	ssyncadd.s32 $0xFFFFC180  }
0x50: {  	[spmem:s3] =	stream.indirect.scatter.add.f32 [tilespmem:s14], [sflag:$0x3], $0x80, s22, s13, $0xb8;
	[tilespmem:$0x1F700] =	vst v63  }
0x51: {  	_ =	swait.ge [sflag:s18], $0x3E80  }
0x52: {  	[sflag:s18] =	ssyncset.done $0x0  }
0x53: {  	[sflag:s18] =	ssyncadd.s32 $0xFFFFC180  }
0x54: {  	[spmem:s3] =	stream.indirect.scatter.add.f32 [tilespmem:s15], [sflag:$0x4], $0x80, s23, s13, $0xb8;
	[tilespmem:$0x1F700] =	vst v63  }
0x55: {  	_ =	swait.ge [sflag:s20], $0x3E80  }
0x56: {  	[sflag:s20] =	ssyncset.done $0x0  }
0x57: {  	[sflag:s20] =	ssyncadd.s32 $0xFFFFC180  }
0x58: {  	_ =	swait.ge [sflag:s21], $0x3E80  }
0x59: {  	[sflag:s21] =	ssyncset.done $0x0  }
0x5a: {  	s1 =	simm.s32 $0x200;
	[sflag:s21] =	ssyncadd.s32 $0xFFFFC180  }
0x5b: {  	[tilespmem:s14], [sflag:$0x1] =	stream.indirect.gather [hbm4b:s2+s13], $0x80, s1, s13, $0xb8;
	[tilespmem:$0x1F700] =	vst v63  }
0x5c: {  	s5 =	simm.s32 $0x280  }
0x5d: {  	[tilespmem:s15], [sflag:$0x2] =	stream.indirect.gather [hbm4b:s2+s13], $0x80, s5, s13, $0xb8;
	[tilespmem:$0x1F700] =	vst v63  }
0x5e: {  	_ =	swait.ge [sflag:s17], $0x3E80  }
0x5f: {  	[sflag:s17] =	ssyncset.done $0x0  }
0x60: {  	[sflag:s17] =	ssyncadd.s32 $0xFFFFC180  }
0x61: {  	[spmem:s3] =	stream.indirect.scatter.add.f32 [tilespmem:s14], [sflag:$0x3], $0x80, s24, s13, $0xb8;
	[tilespmem:$0x1F700] =	vst v63  }
0x62: {  	_ =	swait.ge [sflag:s18], $0x3E80  }
0x63: {  	[sflag:s18] =	ssyncset.done $0x0  }
0x64: {  	[sflag:s18] =	ssyncadd.s32 $0xFFFFC180  }
0x65: {  	[spmem:s3] =	stream.indirect.scatter.add.f32 [tilespmem:s15], [sflag:$0x4], $0x80, s25, s13, $0xb8;
	[tilespmem:$0x1F700] =	vst v63  }
0x66: {  	_ =	swait.ge [sflag:s20], $0x3E80  }
0x67: {  	[sflag:s20] =	ssyncset.done $0x0  }
0x68: {  	[sflag:s20] =	ssyncadd.s32 $0xFFFFC180  }
0x69: {  	_ =	swait.ge [sflag:s21], $0x3E80  }
0x6a: {  	[sflag:s21] =	ssyncset.done $0x0  }
0x6b: {  	s1 =	simm.s32 $0x300;
	[sflag:s21] =	ssyncadd.s32 $0xFFFFC180  }
0x6c: {  	[tilespmem:s14], [sflag:$0x1] =	stream.indirect.gather [hbm4b:s2+s13], $0x80, s1, s13, $0xb8;
	[tilespmem:$0x1F700] =	vst v63  }
0x6d: {  	s5 =	simm.s32 $0x380  }
0x6e: {  	[tilespmem:s15], [sflag:$0x2] =	stream.indirect.gather [hbm4b:s2+s13], $0x80, s5, s13, $0xb8;
	[tilespmem:$0x1F700] =	vst v63  }
0x6f: {  	_ =	swait.ge [sflag:s17], $0x3E80  }
0x70: {  	[sflag:s17] =	ssyncset.done $0x0  }
0x71: {  	[sflag:s17] =	ssyncadd.s32 $0xFFFFC180  }
0x72: {  	[spmem:s3] =	stream.indirect.scatter.add.f32 [tilespmem:s14], [sflag:$0x3], $0x80, s26, s13, $0xb8;
	[tilespmem:$0x1F700] =	vst v63  }
0x73: {  	_ =	swait.ge [sflag:s18], $0x3E80  }
0x74: {  	[sflag:s18] =	ssyncset.done $0x0  }
0x75: {  	[sflag:s18] =	ssyncadd.s32 $0xFFFFC180  }
0x76: {  	[spmem:s3] =	stream.indirect.scatter.add.f32 [tilespmem:s15], [sflag:$0x4], $0x80, s28, s13, $0xb8;
	[tilespmem:$0x1F700] =	vst v63  }
0x77: {  	_ =	swait.ge [sflag:s20], $0x3E80  }
0x78: {  	[sflag:s20] =	ssyncset.done $0x0  }
0x79: {  	[sflag:s20] =	ssyncadd.s32 $0xFFFFC180  }
0x7a: {  	s31 =	simm.s32 $0x1000;
	_ =	swait.ge [sflag:s21], $0x3E80  }
0x7b: {  	s30 =	sadd.s32 $0x80, s9;
	s1 =	simm.s32 $0x2000;
	[sflag:s21] =	ssyncset.done $0x0  }
.LBB2_6:
0x7c: {  	s0 =	sshra.s32 s31, $0x2  }
0x7d: {  	[sflag:s21] =	ssyncadd.s32 $0xFFFFC180;
	s31 =	smov.u32 s1;
	s5 =	sadd.s32 $0x1000, s1  }
0x7e: {  	[tilespmem:s14], [sflag:$0x1] =	stream.indirect.gather [hbm4b:s2+s13], $0x80, s0, s13, $0xb8;
	[tilespmem:$0x1F700] =	vst v63  }
0x7f: {  	p1 =	sne.s32 s1, $0x9000;
	s1 =	sadd.s32 $0x80, s0  }
0x80: {  	[tilespmem:s15], [sflag:$0x2] =	stream.indirect.gather [hbm4b:s2+s13], $0x80, s1, s13, $0xb8;
	[tilespmem:$0x1F700] =	vst v63  }
0x81: {  	_ = 	snop  }
0x82: {  	[tilespmem:s16], [sflag:$0x5] =	stream.linear.gather [hbm4b:s30+s4], $0x400, $0x38;
	[tilespmem:$0x1F700] =	vst v63  }
0x83: {  	_ =	swait.ge [sflag:s11], $0x400  }
0x84: {  	[sflag:s11] =	ssyncset.done $0x0  }
0x85: {  	[sflag:s11] =	ssyncadd.s32 $0xFFFFFC00  }
0x86: {  	_ =	swait.ge [sflag:s17], $0x3E80  }
0x87: {  	[sflag:s17] =	ssyncset.done $0x0  }
0x88: {  	[sflag:s17] =	ssyncadd.s32 $0xFFFFC180  }
0x89: {  	[spmem:s3] =	stream.indirect.scatter.add.f32 [tilespmem:s14], [sflag:$0x3], $0x80, s16, s13, $0xb8;
	[tilespmem:$0x1F700] =	vst v63  }
0x8a: {  	_ =	swait.ge [sflag:s18], $0x3E80  }
0x8b: {  	[sflag:s18] =	ssyncset.done $0x0  }
0x8c: {  	[sflag:s18] =	ssyncadd.s32 $0xFFFFC180  }
0x8d: {  	[spmem:s3] =	stream.indirect.scatter.add.f32 [tilespmem:s15], [sflag:$0x4], $0x80, s19, s13, $0xb8;
	[tilespmem:$0x1F700] =	vst v63  }
0x8e: {  	_ =	swait.ge [sflag:s20], $0x3E80  }
0x8f: {  	[sflag:s20] =	ssyncset.done $0x0  }
0x90: {  	[sflag:s20] =	ssyncadd.s32 $0xFFFFC180  }
0x91: {  	_ =	swait.ge [sflag:s21], $0x3E80  }
0x92: {  	[sflag:s21] =	ssyncset.done $0x0  }
0x93: {  	s1 =	sadd.s32 $0x100, s0;
	[sflag:s21] =	ssyncadd.s32 $0xFFFFC180  }
0x94: {  	[tilespmem:s14], [sflag:$0x1] =	stream.indirect.gather [hbm4b:s2+s13], $0x80, s1, s13, $0xb8;
	[tilespmem:$0x1F700] =	vst v63  }
0x95: {  	s1 =	sadd.s32 $0x180, s0  }
0x96: {  	[tilespmem:s15], [sflag:$0x2] =	stream.indirect.gather [hbm4b:s2+s13], $0x80, s1, s13, $0xb8;
	[tilespmem:$0x1F700] =	vst v63  }
0x97: {  	_ =	swait.ge [sflag:s17], $0x3E80  }
0x98: {  	[sflag:s17] =	ssyncset.done $0x0  }
0x99: {  	[sflag:s17] =	ssyncadd.s32 $0xFFFFC180  }
0x9a: {  	[spmem:s3] =	stream.indirect.scatter.add.f32 [tilespmem:s14], [sflag:$0x3], $0x80, s22, s13, $0xb8;
	[tilespmem:$0x1F700] =	vst v63  }
0x9b: {  	_ =	swait.ge [sflag:s18], $0x3E80  }
0x9c: {  	[sflag:s18] =	ssyncset.done $0x0  }
0x9d: {  	[sflag:s18] =	ssyncadd.s32 $0xFFFFC180  }
0x9e: {  	[spmem:s3] =	stream.indirect.scatter.add.f32 [tilespmem:s15], [sflag:$0x4], $0x80, s23, s13, $0xb8;
	[tilespmem:$0x1F700] =	vst v63  }
0x9f: {  	_ =	swait.ge [sflag:s20], $0x3E80  }
0xa0: {  	[sflag:s20] =	ssyncset.done $0x0  }
0xa1: {  	[sflag:s20] =	ssyncadd.s32 $0xFFFFC180  }
0xa2: {  	_ =	swait.ge [sflag:s21], $0x3E80  }
0xa3: {  	[sflag:s21] =	ssyncset.done $0x0  }
0xa4: {  	s1 =	sadd.s32 $0x200, s0;
	[sflag:s21] =	ssyncadd.s32 $0xFFFFC180  }
0xa5: {  	[tilespmem:s14], [sflag:$0x1] =	stream.indirect.gather [hbm4b:s2+s13], $0x80, s1, s13, $0xb8;
	[tilespmem:$0x1F700] =	vst v63  }
0xa6: {  	s1 =	sadd.s32 $0x280, s0  }
0xa7: {  	[tilespmem:s15], [sflag:$0x2] =	stream.indirect.gather [hbm4b:s2+s13], $0x80, s1, s13, $0xb8;
	[tilespmem:$0x1F700] =	vst v63  }
0xa8: {  	_ =	swait.ge [sflag:s17], $0x3E80  }
0xa9: {  	[sflag:s17] =	ssyncset.done $0x0  }
0xaa: {  	[sflag:s17] =	ssyncadd.s32 $0xFFFFC180  }
0xab: {  	[spmem:s3] =	stream.indirect.scatter.add.f32 [tilespmem:s14], [sflag:$0x3], $0x80, s24, s13, $0xb8;
	[tilespmem:$0x1F700] =	vst v63  }
0xac: {  	_ =	swait.ge [sflag:s18], $0x3E80  }
0xad: {  	[sflag:s18] =	ssyncset.done $0x0  }
0xae: {  	[sflag:s18] =	ssyncadd.s32 $0xFFFFC180  }
0xaf: {  	[spmem:s3] =	stream.indirect.scatter.add.f32 [tilespmem:s15], [sflag:$0x4], $0x80, s25, s13, $0xb8;
	[tilespmem:$0x1F700] =	vst v63  }
0xb0: {  	_ =	swait.ge [sflag:s20], $0x3E80  }
0xb1: {  	[sflag:s20] =	ssyncset.done $0x0  }
0xb2: {  	[sflag:s20] =	ssyncadd.s32 $0xFFFFC180  }
0xb3: {  	_ =	swait.ge [sflag:s21], $0x3E80  }
0xb4: {  	[sflag:s21] =	ssyncset.done $0x0  }
0xb5: {  	s1 =	sadd.s32 $0x300, s0;
	[sflag:s21] =	ssyncadd.s32 $0xFFFFC180  }
0xb6: {  	[tilespmem:s14], [sflag:$0x1] =	stream.indirect.gather [hbm4b:s2+s13], $0x80, s1, s13, $0xb8;
	[tilespmem:$0x1F700] =	vst v63  }
0xb7: {  	s0 =	sadd.s32 $0x380, s0  }
0xb8: {  	[tilespmem:s15], [sflag:$0x2] =	stream.indirect.gather [hbm4b:s2+s13], $0x80, s0, s13, $0xb8;
	[tilespmem:$0x1F700] =	vst v63  }
0xb9: {  	_ =	swait.ge [sflag:s17], $0x3E80  }
0xba: {  	[sflag:s17] =	ssyncset.done $0x0  }
0xbb: {  	[sflag:s17] =	ssyncadd.s32 $0xFFFFC180  }
0xbc: {  	[spmem:s3] =	stream.indirect.scatter.add.f32 [tilespmem:s14], [sflag:$0x3], $0x80, s26, s13, $0xb8;
	[tilespmem:$0x1F700] =	vst v63  }
0xbd: {  	_ =	swait.ge [sflag:s18], $0x3E80  }
0xbe: {  	[sflag:s18] =	ssyncset.done $0x0  }
0xbf: {  	[sflag:s18] =	ssyncadd.s32 $0xFFFFC180  }
0xc0: {  	[spmem:s3] =	stream.indirect.scatter.add.f32 [tilespmem:s15], [sflag:$0x4], $0x80, s28, s13, $0xb8;
	[tilespmem:$0x1F700] =	vst v63  }
.Ltmp3:
0xc1: {  	_ =	swait.ge [sflag:s20], $0x3E80;
	(pc) =	sbr.rel @p1 .LBB2_6-.Ltmp3, $4  }
0xc2: {  	[sflag:s20] =	ssyncset.done $0x0  }
0xc3: {  	[sflag:s20] =	ssyncadd.s32 $0xFFFFC180  }
0xc4: {  	_ =	swait.ge [sflag:s21], $0x3E80  }
0xc5: {  	s30 =	sadd.s32 $0x80, s30;
	s1 =	smov.u32 s5;
	[sflag:s21] =	ssyncset.done $0x0  }
0xc6: {  	s0 =	sshra.s32 s31, $0x2;
	[sflag:s21] =	ssyncadd.s32 $0xFFFFC180  }
0xc7: {  	[tilespmem:s14], [sflag:$0x1] =	stream.indirect.gather [hbm4b:s2+s13], $0x80, s0, s13, $0xb8;
	[tilespmem:$0x1F700] =	vst v63  }
0xc8: {  	s1 =	sadd.s32 $0x80, s0  }
0xc9: {  	[tilespmem:s15], [sflag:$0x2] =	stream.indirect.gather [hbm4b:s2+s13], $0x80, s1, s13, $0xb8;
	[tilespmem:$0x1F700] =	vst v63  }
0xca: {  	_ = 	snop  }
0xcb: {  	[tilespmem:s16], [sflag:$0x5] =	stream.linear.gather [hbm4b:s30+s4], $0x400, $0x38;
	[tilespmem:$0x1F700] =	vst v63  }
0xcc: {  	_ =	swait.ge [sflag:s11], $0x400  }
0xcd: {  	[sflag:s11] =	ssyncset.done $0x0  }
0xce: {  	[sflag:s11] =	ssyncadd.s32 $0xFFFFFC00  }
0xcf: {  	_ =	swait.ge [sflag:s17], $0x3E80  }
0xd0: {  	[sflag:s17] =	ssyncset.done $0x0  }
0xd1: {  	[sflag:s17] =	ssyncadd.s32 $0xFFFFC180  }
0xd2: {  	[spmem:s3] =	stream.indirect.scatter.add.f32 [tilespmem:s14], [sflag:$0x3], $0x80, s16, s13, $0xb8;
	[tilespmem:$0x1F700] =	vst v63  }
0xd3: {  	_ =	swait.ge [sflag:s18], $0x3E80  }
0xd4: {  	[sflag:s18] =	ssyncset.done $0x0  }
0xd5: {  	[sflag:s18] =	ssyncadd.s32 $0xFFFFC180  }
0xd6: {  	[spmem:s3] =	stream.indirect.scatter.add.f32 [tilespmem:s15], [sflag:$0x4], $0x80, s19, s13, $0xb8;
	[tilespmem:$0x1F700] =	vst v63  }
0xd7: {  	_ =	swait.ge [sflag:s20], $0x3E80  }
0xd8: {  	[sflag:s20] =	ssyncset.done $0x0  }
0xd9: {  	[sflag:s20] =	ssyncadd.s32 $0xFFFFC180  }
0xda: {  	_ =	swait.ge [sflag:s21], $0x3E80  }
0xdb: {  	[sflag:s21] =	ssyncset.done $0x0  }
0xdc: {  	s5 =	sadd.s32 $0x100, s0;
	[sflag:s21] =	ssyncadd.s32 $0xFFFFC180  }
0xdd: {  	[tilespmem:s14], [sflag:$0x1] =	stream.indirect.gather [hbm4b:s2+s13], $0x80, s5, s13, $0xb8;
	[tilespmem:$0x1F700] =	vst v63  }
0xde: {  	s5 =	sadd.s32 $0x180, s0  }
0xdf: {  	[tilespmem:s15], [sflag:$0x2] =	stream.indirect.gather [hbm4b:s2+s13], $0x80, s5, s13, $0xb8;
	[tilespmem:$0x1F700] =	vst v63  }
0xe0: {  	_ =	swait.ge [sflag:s17], $0x3E80  }
0xe1: {  	[sflag:s17] =	ssyncset.done $0x0  }
0xe2: {  	[sflag:s17] =	ssyncadd.s32 $0xFFFFC180  }
0xe3: {  	[spmem:s3] =	stream.indirect.scatter.add.f32 [tilespmem:s14], [sflag:$0x3], $0x80, s22, s13, $0xb8;
	[tilespmem:$0x1F700] =	vst v63  }
0xe4: {  	_ =	swait.ge [sflag:s18], $0x3E80  }
0xe5: {  	[sflag:s18] =	ssyncset.done $0x0  }
0xe6: {  	[sflag:s18] =	ssyncadd.s32 $0xFFFFC180  }
0xe7: {  	[spmem:s3] =	stream.indirect.scatter.add.f32 [tilespmem:s15], [sflag:$0x4], $0x80, s23, s13, $0xb8;
	[tilespmem:$0x1F700] =	vst v63  }
0xe8: {  	_ =	swait.ge [sflag:s20], $0x3E80  }
0xe9: {  	[sflag:s20] =	ssyncset.done $0x0  }
0xea: {  	[sflag:s20] =	ssyncadd.s32 $0xFFFFC180  }
0xeb: {  	_ =	swait.ge [sflag:s21], $0x3E80  }
0xec: {  	[sflag:s21] =	ssyncset.done $0x0  }
0xed: {  	s5 =	sadd.s32 $0x200, s0;
	[sflag:s21] =	ssyncadd.s32 $0xFFFFC180  }
0xee: {  	[tilespmem:s14], [sflag:$0x1] =	stream.indirect.gather [hbm4b:s2+s13], $0x80, s5, s13, $0xb8;
	[tilespmem:$0x1F700] =	vst v63  }
0xef: {  	s5 =	sadd.s32 $0x280, s0  }
0xf0: {  	[tilespmem:s15], [sflag:$0x2] =	stream.indirect.gather [hbm4b:s2+s13], $0x80, s5, s13, $0xb8;
	[tilespmem:$0x1F700] =	vst v63  }
0xf1: {  	_ =	swait.ge [sflag:s17], $0x3E80  }
0xf2: {  	[sflag:s17] =	ssyncset.done $0x0  }
0xf3: {  	[sflag:s17] =	ssyncadd.s32 $0xFFFFC180  }
0xf4: {  	[spmem:s3] =	stream.indirect.scatter.add.f32 [tilespmem:s14], [sflag:$0x3], $0x80, s24, s13, $0xb8;
	[tilespmem:$0x1F700] =	vst v63  }
0xf5: {  	_ =	swait.ge [sflag:s18], $0x3E80  }
0xf6: {  	[sflag:s18] =	ssyncset.done $0x0  }
0xf7: {  	[sflag:s18] =	ssyncadd.s32 $0xFFFFC180  }
0xf8: {  	[spmem:s3] =	stream.indirect.scatter.add.f32 [tilespmem:s15], [sflag:$0x4], $0x80, s25, s13, $0xb8;
	[tilespmem:$0x1F700] =	vst v63  }
0xf9: {  	_ =	swait.ge [sflag:s20], $0x3E80  }
0xfa: {  	[sflag:s20] =	ssyncset.done $0x0  }
0xfb: {  	[sflag:s20] =	ssyncadd.s32 $0xFFFFC180  }
0xfc: {  	_ =	swait.ge [sflag:s21], $0x3E80  }
0xfd: {  	[sflag:s21] =	ssyncset.done $0x0  }
0xfe: {  	s5 =	sadd.s32 $0x300, s0;
	[sflag:s21] =	ssyncadd.s32 $0xFFFFC180  }
0xff: {  	[tilespmem:s14], [sflag:$0x1] =	stream.indirect.gather [hbm4b:s2+s13], $0x80, s5, s13, $0xb8;
	[tilespmem:$0x1F700] =	vst v63  }
0x100: {  	s0 =	sadd.s32 $0x380, s0  }
0x101: {  	[tilespmem:s15], [sflag:$0x2] =	stream.indirect.gather [hbm4b:s2+s13], $0x80, s0, s13, $0xb8;
	[tilespmem:$0x1F700] =	vst v63  }
0x102: {  	_ =	swait.ge [sflag:s17], $0x3E80  }
0x103: {  	[sflag:s17] =	ssyncset.done $0x0  }
0x104: {  	[sflag:s17] =	ssyncadd.s32 $0xFFFFC180  }
0x105: {  	[spmem:s3] =	stream.indirect.scatter.add.f32 [tilespmem:s14], [sflag:$0x3], $0x80, s26, s13, $0xb8;
	[tilespmem:$0x1F700] =	vst v63  }
0x106: {  	_ =	swait.ge [sflag:s18], $0x3E80  }
0x107: {  	[sflag:s18] =	ssyncset.done $0x0  }
0x108: {  	[sflag:s18] =	ssyncadd.s32 $0xFFFFC180  }
0x109: {  	[spmem:s3] =	stream.indirect.scatter.add.f32 [tilespmem:s15], [sflag:$0x4], $0x80, s28, s13, $0xb8;
	[tilespmem:$0x1F700] =	vst v63  }
0x10a: {  	_ =	swait.ge [sflag:s20], $0x3E80  }
0x10b: {  	[sflag:s20] =	ssyncset.done $0x0  }
0x10c: {  	[sflag:s20] =	ssyncadd.s32 $0xFFFFC180  }
0x10d: {  	_ =	swait.ge [sflag:s21], $0x3E80  }
.Ltmp4:
0x10e: {  	s1 =	stileid.u32;
	[sflag:s21] =	ssyncset.done $0x0;
	(pc) =	sbr.rel @!p0 .LBB2_9-.Ltmp4, $4  }
0x10f: {  	s31 =	smov.u32 s7;
	s0 =	sshll.u32 s1, $0x6;
	[sflag:s21] =	ssyncadd.s32 $0xFFFFC180  }
0x110: {  	s5 =	sshrl.u32 s7, $0x3;
	s0 =	sor.u32 $0x1C05, s0;
	[bflag:$0x0] =	sbarrier.arrive $0xFFFF  }
0x111: {  	[hbm:s10], [sflag:s0] =	dma.local [spmem:s5], $0x200  }
0x112: {  	s30 =	sadd.s32 $0x200, s10;
	s1 =	sadd.s32 $0xFFFFFFFF, s6;
	_ =	swait.ge [sflag:s11], $0x200  }
.LBB2_8:
0x113: {  	[sflag:s11] =	ssyncset.done $0x0;
	s31 =	sadd.s32 $0x1000, s31;
	p0 =	sne.s32 s1, $0x1  }
.Ltmp5:
0x114: {  	s5 =	sshrl.u32 s31, $0x3;
	[sflag:s11] =	ssyncadd.s32 $0xFFFFFE00;
	(pc) =	sbr.rel @p0 .LBB2_8-.Ltmp5, $3  }
0x115: {  	[hbm:s30], [sflag:s0] =	dma.local [spmem:s5], $0x200  }
0x116: {  	s1 =	sadd.s32 $0xFFFFFFFF, s1;
	_ =	sdelay $0x1  }
0x117: {  	s30 =	sadd.s32 $0x200, s30;
	_ =	swait.ge [sflag:s11], $0x200  }
.LBB2_9:
0x118: {  	s29 =	sadd.s32 $0x1, s29  }
0x119: {  	p0 =	sne.s32 s29, s8  }
.Ltmp6:
0x11a: {  	_ = 	snop;
	(pc) =	sbr.rel @p0 .LBB2_1-.Ltmp6, $3  }
0x11b: {  	_ =	sdelay $0x1  }
0x11c: {  	[sflag:s11] =	ssyncset.done $0x0  }
0x11d: {  	[sflag:s11] =	ssyncadd.s32 $0xFFFFFE00  }
0x11e: {  	_ =	sfence.sel $0x180000  }
0x11f: {  	[bflag:$0x0] =	sbarrier.arrive $0xFFFF  }
0x120: {  	_ =	strace $0x9000004A  }
0x121: {  	s0 =	stileid.u32;
	[bflag:$0x2] =	sbarrier.arrive $0xFFFF  }
0x122: {  	p0 =	sne.s32 s0, $0x0;
	s0 =	rddreg [dreg:$0x3]  }
0x123: {  	s0 =	sadd.s32 @!p0 $0x100000, s0  }
0x124: {  	[sflag:s0] =	ssyncadd.tile.s32 @!p0 $0x1;
	_ =	shalt  }
.Lfunc_end2:
_tile_overlayer_lowered:
.L_overlay_start_2:
0x125: {  	(tag) =	ssettag $0x2  }
0x126: {  	s0 =	rddreg [dreg:$0x0];
	s2 =	stileid.u32  }
0x127: {  	s1 =	rddreg [dreg:$0x1];
	p0 =	sne.s32 s2, $0x0  }
0x128: {  	s3 =	rddreg [dreg:$0x2];
	[bflag:$0x3] =	sbarrier.arrive $0xFFFF;
	s2 =	simm.s32 @!p0 $0x1C05  }
0x129: {  	[timem:s3], [sflag:s2] =	dma.local @!p0 [hbm:s0], s1  }
0x12a: {  	s0 =	simm.s32 @!p0 $0x5  }
0x12b: {  	_ =	swait.ge @!p0 [sflag:s0], s1  }
0x12c: {  	s1 =	ssub.s32 @!p0 $0x0, s1;
	[sflag:s0] =	ssyncset.done @!p0 $0x0  }
0x12d: {  	[sflag:s0] =	ssyncadd.s32 @!p0 s1  }
0x12e: {  	[bflag:$0x3] =	sbarrier.arrive $0xFFFF  }
0x12f: {  	_ =	shalt  }

// kernel: kernel.14.cloned.1.call-start
scs
__scs_entry_jumppad:
0x0: {  	(pc) =	sbr.rel $0x88, $3  }
0x1: {  	(tag) =	ssettag $0x0;
	lr =	simm.s32 $0x1  }
0x2: {  	[smem:$0x3F99] =	sst lr;
	_ =	strace $0xD0000000  }
0x3: {  	_ = 	snop  }
0x4: {  	_ = 	snop  }
0x5: {  	_ = 	snop  }
0x6: {  	_ = 	snop  }
0x7: {  	_ = 	snop  }
__scs_overlays_trampoline_lowered:
0x8: {  	[smem:$0x3FA8] =	sst s0  }
0x9: {  	[smem:$0x3FA9] =	sst s1  }
0xa: {  	[smem:$0x3FAA] =	sst s2  }
0xb: {  	[smem:$0x3FAB] =	sst s3  }
0xc: {  	[smem:$0x3FAC] =	sst s4  }
0xd: {  	[smem:$0x3FAD] =	sst s5  }
0xe: {  	[smem:$0x3FAE] =	sst s6  }
0xf: {  	[smem:$0x3FAF] =	sst s7  }
0x10: {  	[smem:$0x3FB0] =	sst s8  }
0x11: {  	[smem:$0x3FB1] =	sst s9;
	s0 =	simm.s32 @!p0 $0x0  }
0x12: {  	s1 =	sld [smem:$0x3F97];
	s0 =	simm.s32 @p0 $0x1  }
0x13: {  	[smem:$0x3FB2] =	sst s0;
	s0 =	simm.s32 @!p1 $0x0  }
0x14: {  	s2 =	sld [smem:$0x3F96];
	s0 =	simm.s32 @p1 $0x1  }
0x15: {  	[smem:$0x3FB3] =	sst s0;
	s0 =	simm.s32 @!p2 $0x0  }
0x16: {  	s3 =	sld [smem:$0x3FDB];
	s0 =	simm.s32 @p2 $0x1  }
0x17: {  	s4 =	simm.s32 $0x1BF5;
	[smem:$0x3FB5] =	sst s0  }
0x18: {  	s0 =	sld [smem:$0x3F98];
	_ =	swait.ge [sflag:s4], $0x0  }
0x19: {  	s7 =	sld [smem:$0x3F99]  }
0x1a: {  	s8 =	sadd.s32 $0xFFFFE003, lr  }
0x1b: {  	s9 =	sadd.s32 $0xFFFFFEF7, lr;
	s5 =	simm.s32 $0xFFFFFFFF;
	p2 =	slt.u32 s8, $0xFFFFF086  }
0x1c: {  	p1 =	slt.u32 s9, $0xF7A;
	s5 =	simm.s32 @!p2 $0x0  }
0x1d: {  	s5 =	simm.s32 @p1 $0x1;
	p0 =	seq.s32 s7, s2  }
0x1e: {  	s7 =	smul.u32 @!p0 $0xF7A, s2;
	p2 =	seq.s32 @!p0 s5, $0x0  }
0x1f: {  	s9 =	smul.u32 $0xF7A, s1;
	s8 =	simm.s32 @!p0 $0x1BF5;
	p2 =	por !p2, p0  }
0x20: {  	[sflag:s8] =	ssyncset.s32 @!p0 $0xFFFFF086;
	s6 =	sadd.s32 @!p0 s3, s7;
	s7 =	simm.s32 @!p0 $0x108  }
0x21: {  	s3 =	sadd.s32 s3, s9;
	s6 =	sadd.s32 @!p0 $0x88, s6;
	s7 =	simm.s32 @p2 $0x1082  }
0x22: {  	[simem:s7], [sflag:s8] =	dma.local @!p0 [hbm:s6], $0xF7A  }
0x23: {  	s9 =	sor.u32 $0xD0000000, s2;
	s6 =	simm.s32 $0x108;
	_ =	swait.ge @!p0 [sflag:s8], $0x0  }
0x24: {  	s3 =	sadd.s32 $0x88, s3;
	s6 =	simm.s32 @!p1 $0x1082;
	[sflag:s4] =	ssyncset.s32 $0xFFFFF086  }
0x25: {  	[simem:s6], [sflag:s4] =	dma.local [hbm:s3], $0xF7A  }
0x26: {  	[smem:$0x3F99] =	sst s1;
	(tag) =	ssettag s2;
	_ =	strace s9  }
0x27: {  	s1 =	sld [smem:$0x3FA9]  }
0x28: {  	s2 =	sld [smem:$0x3FAA]  }
0x29: {  	s4 =	sld [smem:$0x3FAC]  }
0x2a: {  	p0 =	seq.s32 s5, $0x0;
	s5 =	sld [smem:$0x3FAD]  }
0x2b: {  	s6 =	sld [smem:$0x3FAE]  }
0x2c: {  	s7 =	sld [smem:$0x3FAF]  }
0x2d: {  	s3 =	simm.s32 $0x108;
	s8 =	sld [smem:$0x3FB0]  }
0x2e: {  	s3 =	simm.s32 @!p0 $0x1082;
	s9 =	sld [smem:$0x3FB1]  }
0x2f: {  	lr =	sadd.s32 s0, s3;
	s0 =	sld [smem:$0x3FA8]  }
0x30: {  	s3 =	sld [smem:$0x3FAB]  }
0x31: {  	[smem:$0x3FB4] =	sst s10  }
0x32: {  	s10 =	sld [smem:$0x3FB2];
	_ =	sdelay $0x3  }
0x33: {  	p0 =	seq.s32 s10, $0x1;
	s10 =	sld [smem:$0x3FB4];
	_ =	sdelay $0x3  }
0x34: {  	[smem:$0x3FB4] =	sst s10  }
0x35: {  	s10 =	sld [smem:$0x3FB3];
	_ =	sdelay $0x3  }
0x36: {  	p1 =	seq.s32 s10, $0x1;
	s10 =	sld [smem:$0x3FB4];
	_ =	sdelay $0x3  }
0x37: {  	[smem:$0x3FB4] =	sst s10  }
0x38: {  	s10 =	sld [smem:$0x3FB5]  }
0x39: {  	_ = 	snop;
	(pc) =	sbr.ind lr, $3  }
0x3a: {  	_ = 	snop  }
0x3b: {  	_ = 	snop  }
0x3c: {  	p2 =	seq.s32 s10, $0x1;
	s10 =	sld [smem:$0x3FB4]  }
0x3d: {  	_ =	shalt  }
0x3e: {  	_ =	shalt  }
0x3f: {  	_ =	shalt  }
0x40: {  	_ =	shalt  }
0x41: {  	_ =	shalt  }
0x42: {  	_ =	shalt  }
0x43: {  	_ =	shalt  }
0x44: {  	_ =	shalt  }
0x45: {  	_ =	shalt  }
0x46: {  	_ =	shalt  }
0x47: {  	_ =	shalt  }
0x48: {  	_ =	shalt  }
0x49: {  	_ =	shalt  }
0x4a: {  	_ =	shalt  }
0x4b: {  	_ =	shalt  }
0x4c: {  	_ =	shalt  }
0x4d: {  	_ =	shalt  }
0x4e: {  	_ =	shalt  }
0x4f: {  	_ =	shalt  }
0x50: {  	_ =	shalt  }
0x51: {  	_ =	shalt  }
0x52: {  	_ =	shalt  }
0x53: {  	_ =	shalt  }
0x54: {  	_ =	shalt  }
0x55: {  	_ =	shalt  }
0x56: {  	_ =	shalt  }
0x57: {  	_ =	shalt  }
0x58: {  	_ =	shalt  }
0x59: {  	_ =	shalt  }
0x5a: {  	_ =	shalt  }
0x5b: {  	_ =	shalt  }
0x5c: {  	_ =	shalt  }
0x5d: {  	_ =	shalt  }
0x5e: {  	_ =	shalt  }
0x5f: {  	_ =	shalt  }
0x60: {  	_ =	shalt  }
0x61: {  	_ =	shalt  }
0x62: {  	_ =	shalt  }
0x63: {  	_ =	shalt  }
0x64: {  	_ =	shalt  }
0x65: {  	_ =	shalt  }
0x66: {  	_ =	shalt  }
0x67: {  	_ =	shalt  }
0x68: {  	_ =	shalt  }
0x69: {  	_ =	shalt  }
0x6a: {  	_ =	shalt  }
0x6b: {  	_ =	shalt  }
0x6c: {  	_ =	shalt  }
0x6d: {  	_ =	shalt  }
0x6e: {  	_ =	shalt  }
0x6f: {  	_ =	shalt  }
0x70: {  	_ =	shalt  }
0x71: {  	_ =	shalt  }
0x72: {  	_ =	shalt  }
0x73: {  	_ =	shalt  }
0x74: {  	_ =	shalt  }
0x75: {  	_ =	shalt  }
0x76: {  	_ =	shalt  }
0x77: {  	_ =	shalt  }
0x78: {  	_ =	shalt  }
0x79: {  	_ =	shalt  }
0x7a: {  	_ =	shalt  }
0x7b: {  	_ =	shalt  }
0x7c: {  	_ =	shalt  }
0x7d: {  	_ =	shalt  }
0x7e: {  	_ =	shalt  }
0x7f: {  	_ =	shalt  }
0x80: {  	_ =	shalt  }
0x81: {  	_ =	shalt  }
0x82: {  	_ =	shalt  }
0x83: {  	_ =	shalt  }
0x84: {  	_ =	shalt  }
0x85: {  	_ =	shalt  }
0x86: {  	_ =	shalt  }
0x87: {  	_ =	shalt  }
.Lfunc_end0:
.L_simem_size_0:
called_computation.2_lowered:
.L_overlay_start_0:
0x88: {  	s2 =	sld [smem:$0x3FD9]  }
0x89: {  	s3 =	sld [smem:$0x3FFE];
	_ =	sdelay $0x1  }
0x8a: {  	s1 =	srdreg.scid  }
0x8b: {  	s0 =	sand.u32 $0x1, s1  }
0x8c: {  	s17 =	sshll.u32 s0, $0xA;
	s2 =	sadd.s32 s3, s2  }
0x8d: {  	s2 =	sadd.s32 s2, s17  }
0x8e: {  	[smem:$0x3FC0] =	sst s2  }
0x8f: {  	_ = 	snop  }
0x90: {  	s2 =	sld [smem:$0x3FD0];
	(tm) =	ssettm $0x1  }
0x91: {  	s18 =	sld [smem:$0x3FFB];
	_ =	sdelay $0x3  }
0x92: {  	_ =	strace s18  }
0x93: {  	s3 =	sld [smem:$0x3FFC];
	_ =	sdelay $0x3  }
0x94: {  	_ =	strace s3  }
0x95: {  	s3 =	sld [smem:$0x3FFD];
	_ =	sdelay $0x3  }
0x96: {  	_ =	strace s3  }
0x97: {  	_ =	strace $0x8FFFFFFF  }
0x98: {  	s19 =	sld [smem:$0x3FDB];
	_ =	sdelay $0x1  }
0x99: {  	s4 =	simm.s32 $_scs_section_size  }
0x9a: {  	s5 =	simm.s32 $_size__tile_overlayer_lowered;
	s6 =	simm.s32 $_tile_overlayer_lowered  }
0x9b: {  	s22 =	simm.s32 $0x1BFF;
	s21 =	sshll.u32 s6, $0x1;
	s3 =	sadd.s32 s4, s19  }
0x9c: {  	s7 =	simm.s32 $0x0;
	s20 =	sshll.u32 s5, $0x1;
	s5 =	sadd.s32 s21, s3  }
0x9d: {  	[timem:s7], [sflag:s22] =	dma.local [hbm:s5], s20  }
0x9e: {  	_ =	swait.ge [sflag:s22], s20  }
0x9f: {  	s4 =	ssub.s32 $0x0, s20;
	[sflag:s22] =	ssyncset.done $0x0  }
0xa0: {  	[sflag:s22] =	ssyncadd.s32 s4;
	_ =	sdelay $0x1  }
0xa1: {  	s23 =	simm.s32 $0x1B8B  }
0xa2: {  	_ =	swait.ge [sflag:s23], $0x1  }
0xa3: {  	[sflag:s23] =	ssyncset.done $0x0  }
0xa4: {  	s25 =	simm.s32 $0x1B8E;
	s24 =	sld [smem:$0x3FFE];
	[sflag:s23] =	ssyncadd.s32 $0xFFFFFFFF  }
0xa5: {  	s26 =	simm.s32 $execute0_lowered;
	[smem:$0x3FD2] =	sst s25  }
0xa6: {  	s5 =	sshll.u32 s26, $0x1;
	_ =	strace $0x8000004C;
	[dreg:$0x1] =	wrdreg $0xFFFFFFFF  }
0xa7: {  	s28 =	simm.s32 $_size_execute0_lowered;
	s3 =	sadd.s32 s3, s5;
	[dreg:$0x0] =	wrdreg $0x0  }
0xa8: {  	s5 =	sshll.u32 s28, $0x1;
	[dreg:$0x2] =	wrdreg s3  }
0xa9: {  	[dreg:$0x3] =	wrdreg s5  }
0xaa: {  	[dreg:$0x4] =	wrdreg $0xC0  }
0xab: {  	_ =	task [dreg:s7], $0x5FFFF  }
0xac: {  	[dreg:$0x1] =	wrdreg $0xFFFFFFFF  }
0xad: {  	[dreg:$0x0] =	wrdreg $0x60  }
0xae: {  	[dreg:$0x2] =	wrdreg s2  }
0xaf: {  	[dreg:$0x3] =	wrdreg s24  }
0xb0: {  	[dreg:$0x4] =	wrdreg $0xBC000  }
0xb1: {  	[dreg:$0x5] =	wrdreg $0x9  }
0xb2: {  	_ =	task.clear_ibuf [dreg:s7], $0x6FFFF;
	_ =	strace $0x9000004C  }
0xb3: {  	s29 =	simm.s32 $0x9;
	_ =	strace $0x8000004E  }
0xb4: {  	_ =	swait.ge [sflag:s29], $0x1  }
0xb5: {  	[sflag:s29] =	ssyncadd.s32 $0xFFFFFFFF  }
0xb6: {  	_ =	strace $0x9000004E  }
0xb7: {  	_ =	sfence  }
0xb8: {  	s30 =	sld [smem:$0x0];
	_ =	sdelay $0x2  }
0xb9: {  	s31 =	sshll.u32 s1, $0xD;
	s1 =	sshrl.u32 s1, $0x2  }
0xba: {  	s3 =	sand.u32 $0x4000, s31;
	s1 =	sadd.s32 s1, s30  }
0xbb: {  	s0 =	sor.u32 s3, s0;
	s1 =	sshll.u32 s1, $0x11  }
0xbc: {  	s0 =	sor.u32 s1, s0  }
0xbd: {  	s0 =	sadd.s32 $0x8F2B, s0  }
0xbe: {  	[sflag:s0] =	ssyncadd.remote.s32 $0x1  }
0xbf: {  	_ =	sfence.sel $0xFFFF  }
0xc0: {  	[dreg:$0x0] =	wrdreg $0xFFFFFFFF;
	(pc) =	sbr.abs _section_cstart, $3  }
0xc1: {  	[dreg:$0x1] =	wrdreg $0xFFFFFFFF  }
0xc2: {  	_ =	task.clear_ibuf [dreg:s7], $0x2FFFF;
	_ =	strace $0x9FFFFFFF  }
0xc3: {  	(tm) =	ssettm $0x7FFFFFFF  }
tec
execute0_lowered:
.L_overlay_start_1:
0x0: {  	(tag) =	ssettag $0x1  }
0x1: {  	s2 =	rddreg [dreg:$0x0]  }
0x2: {  	s0 =	srdreg.scid;
	s5 =	rddreg [dreg:$0x1]  }
0x3: {  	s9 =	stileid.u32;
	s3 =	rddreg [dreg:$0x2];
	s4 =	simm.s32 $0x0  }
0x4: {  	s11 =	simm.s32 $0x5;
	s12 =	simm.s32 $0xAC00;
	s13 =	simm.s32 $0x7D  }
0x5: {  	s14 =	simm.s32 $0x2C00;
	s15 =	simm.s32 $0x6C00;
	s16 =	simm.s32 $0x2800  }
0x6: {  	s17 =	simm.s32 $0x1;
	s18 =	simm.s32 $0x2;
	s19 =	simm.s32 $0x2880  }
0x7: {  	s20 =	simm.s32 $0x3;
	s21 =	simm.s32 $0x4;
	s22 =	simm.s32 $0x2900  }
0x8: {  	s23 =	simm.s32 $0x2980;
	s24 =	simm.s32 $0x2A00;
	s7 =	smul.u32 $0x14000, s9  }
0x9: {  	s25 =	simm.s32 $0x2A80;
	s28 =	simm.s32 $0x2B80;
	s30 =	smul.u32 $0x50000, s9  }
0xa: {  	s29 =	simm.s32 $0x0;
	s0 =	sand.u32 $0x1, s0;
	s31 =	smul.u32 $0x500, s9  }
0xb: {  	[smem:$0x7FF] =	sst s4;
	p0 =	seq.s32 s9, $0xF;
	s6 =	smul.u32 $0x13B000, s0  }
0xc: {  	s1 =	sshll.u32 s0, $0x4;
	s8 =	smul.u32 $0x5000, s0;
	s0 =	ssub.s32 $0x2, s0  }
0xd: {  	_ =	strace $0x8000004D;
	s1 =	sor.u32 s9, s1;
	s26 =	sshrl.u32 s0, $0x1  }
0xe: {  	s1 =	smul.u32 $0x500, s1;
	s6 =	sadd.s32 s7, s6;
	s8 =	sadd.s32 s8, s5  }
0xf: {  	s0 =	ssub.s32 s0, s26;
	s7 =	sshrl.u32 s30, $0x2;
	s26 =	simm.s32 $0x2B00  }
0x10: {  	s6 =	sshrl.u32 s6, $0x3;
	s7 =	sadd.s32 s7, s3;
	s1 =	sadd.s32 s1, s5  }
0x11: {  	s5 =	sadd.s32 s6, s5;
	s6 =	simm.s32 $0xF;
	s1 =	sadd.s32 $0x5B200, s1  }
0x12: {  	s6 =	simm.s32 @!p0 $0x14;
	[dreg:$0x4] =	wrdreg s1;
	s1 =	sadd.s32 s31, s8  }
0x13: {  	v0 =	vimm.f32 $0.0e+00;
	s10 =	sadd.s32 $0x65200, s5;
	s8 =	smax.u32 s0, $0x1;
	s9 =	sadd.s32 $0x2600, s1  }
.LBB2_1:
0x14: {  	s0 =	rddreg [dreg:$0x4]  }
0x15: {  	[tilespmem:s4], [sflag:$0x5] =	stream.linear.gather [hbm4b:s0+s4], $0x2800, $0x38;
	[tilespmem:$0x1F700] =	vst v63  }
0x16: {  	_ =	swait.ge [sflag:s11], $0x2800  }
0x17: {  	[sflag:s11] =	ssyncset.done $0x0  }
0x18: {  	s1 =	simm.s32 $0x200;
	s0 =	simm.s32 $0x0;
	[sflag:s11] =	ssyncadd.s32 $0xFFFFD800  }
.LBB2_2:
0x19: {  	p0 =	sne.s32 s1, $0x3E00;
	[tilespmem:s0+$0xAC70] =	vst v0  }
0x1a: {  	[tilespmem:s0+$0xAC00] =	vst v0  }
0x1b: {  	[tilespmem:s0+$0xAC10] =	vst v0  }
.Ltmp0:
0x1c: {  	[tilespmem:s0+$0xAC20] =	vst v0;
	(pc) =	sbr.rel @p0 .LBB2_2-.Ltmp0, $4  }
0x1d: {  	[tilespmem:s0+$0xAC30] =	vst v0  }
0x1e: {  	[tilespmem:s0+$0xAC40] =	vst v0  }
0x1f: {  	[tilespmem:s0+$0xAC50] =	vst v0  }
0x20: {  	[tilespmem:s0+$0xAC60] =	vst v0;
	s0 =	sshra.s32 s1, $0x2;
	s1 =	sadd.s32 $0x200, s1  }
0x21: {  	[tilespmem:s0+$0xAC70] =	vst v0  }
0x22: {  	[tilespmem:s0+$0xAC00] =	vst v0  }
0x23: {  	[tilespmem:s0+$0xAC10] =	vst v0  }
0x24: {  	[tilespmem:s0+$0xAC20] =	vst v0  }
0x25: {  	[tilespmem:s0+$0xAC30] =	vst v0  }
0x26: {  	[tilespmem:s0+$0xAC40] =	vst v0;
	p0 =	sne.s32 s6, $0x1  }
.Ltmp1:
0x27: {  	[tilespmem:s0+$0xAC50] =	vst v0;
	(pc) =	sbr.rel @!p0 .LBB2_5-.Ltmp1, $4  }
0x28: {  	[tilespmem:s0+$0xAC60] =	vst v0  }
0x29: {  	[spmem:s7] =	stream.linear.scatter [tilespmem:s12], [sflag:$0x5], $0x1000, $0x38;
	[tilespmem:$0x1F700] =	vst v63  }
0x2a: {  	_ =	swait.ge [sflag:s11], $0x1000  }
0x2b: {  	s0 =	sadd.s32 $0xFFFFFFFF, s6;
	s1 =	smov.u32 s7;
	[sflag:s11] =	ssyncset.done $0x0  }
.LBB2_4:
0x2c: {  	p1 =	sne.s32 s0, $0x1;
	[sflag:s11] =	ssyncadd.s32 $0xFFFFF000;
	s1 =	sadd.s32 $0x1000, s1  }
.Ltmp2:
0x2d: {  	s0 =	sadd.s32 $0xFFFFFFFF, s0;
	(pc) =	sbr.rel @p1 .LBB2_4-.Ltmp2, $4  }
0x2e: {  	_ = 	snop  }
0x2f: {  	[spmem:s1] =	stream.linear.scatter [tilespmem:s12], [sflag:$0x5], $0x1000, $0x38;
	[tilespmem:$0x1F700] =	vst v63  }
0x30: {  	_ =	swait.ge [sflag:s11], $0x1000  }
0x31: {  	[sflag:s11] =	ssyncset.done $0x0  }
.LBB2_5:
0x32: {  	[sflag:s11] =	ssyncadd.s32 $0xFFFFF000  }
0x33: {  	s0 =	simm.s32 $0x0;
	[bflag:$0x0] =	sbarrier.arrive $0xFFFF  }
0x34: {  	[tilespmem:s14], [sflag:$0x1] =	stream.indirect.gather [hbm4b:s2+s13], $0x80, s0, s13, $0xb8;
	[tilespmem:$0x1F700] =	vst v63  }
0x35: {  	s5 =	simm.s32 $0x80  }
0x36: {  	[tilespmem:s15], [sflag:$0x2] =	stream.indirect.gather [hbm4b:s2+s13], $0x80, s5, s13, $0xb8;
	[tilespmem:$0x1F700] =	vst v63  }
0x37: {  	_ = 	snop  }
0x38: {  	[tilespmem:s16], [sflag:$0x5] =	stream.linear.gather [hbm4b:s9+s4], $0x400, $0x38;
	[tilespmem:$0x1F700] =	vst v63  }
0x39: {  	_ =	swait.ge [sflag:s11], $0x400  }
0x3a: {  	[sflag:s11] =	ssyncset.done $0x0  }
0x3b: {  	[sflag:s11] =	ssyncadd.s32 $0xFFFFFC00  }
0x3c: {  	_ =	swait.ge [sflag:s17], $0x3E80  }
0x3d: {  	[sflag:s17] =	ssyncset.done $0x0  }
0x3e: {  	[sflag:s17] =	ssyncadd.s32 $0xFFFFC180  }
0x3f: {  	[spmem:s3] =	stream.indirect.scatter.add.f32 [tilespmem:s14], [sflag:$0x3], $0x80, s16, s13, $0xb8;
	[tilespmem:$0x1F700] =	vst v63  }
0x40: {  	_ =	swait.ge [sflag:s18], $0x3E80  }
0x41: {  	[sflag:s18] =	ssyncset.done $0x0  }
0x42: {  	[sflag:s18] =	ssyncadd.s32 $0xFFFFC180  }
0x43: {  	[spmem:s3] =	stream.indirect.scatter.add.f32 [tilespmem:s15], [sflag:$0x4], $0x80, s19, s13, $0xb8;
	[tilespmem:$0x1F700] =	vst v63  }
0x44: {  	_ =	swait.ge [sflag:s20], $0x3E80  }
0x45: {  	[sflag:s20] =	ssyncset.done $0x0  }
0x46: {  	[sflag:s20] =	ssyncadd.s32 $0xFFFFC180  }
0x47: {  	_ =	swait.ge [sflag:s21], $0x3E80  }
0x48: {  	[sflag:s21] =	ssyncset.done $0x0  }
0x49: {  	s1 =	simm.s32 $0x100;
	[sflag:s21] =	ssyncadd.s32 $0xFFFFC180  }
0x4a: {  	[tilespmem:s14], [sflag:$0x1] =	stream.indirect.gather [hbm4b:s2+s13], $0x80, s1, s13, $0xb8;
	[tilespmem:$0x1F700] =	vst v63  }
0x4b: {  	s5 =	simm.s32 $0x180  }
0x4c: {  	[tilespmem:s15], [sflag:$0x2] =	stream.indirect.gather [hbm4b:s2+s13], $0x80, s5, s13, $0xb8;
	[tilespmem:$0x1F700] =	vst v63  }
0x4d: {  	_ =	swait.ge [sflag:s17], $0x3E80  }
0x4e: {  	[sflag:s17] =	ssyncset.done $0x0  }
0x4f: {  	[sflag:s17] =	ssyncadd.s32 $0xFFFFC180  }
0x50: {  	[spmem:s3] =	stream.indirect.scatter.add.f32 [tilespmem:s14], [sflag:$0x3], $0x80, s22, s13, $0xb8;
	[tilespmem:$0x1F700] =	vst v63  }
0x51: {  	_ =	swait.ge [sflag:s18], $0x3E80  }
0x52: {  	[sflag:s18] =	ssyncset.done $0x0  }
0x53: {  	[sflag:s18] =	ssyncadd.s32 $0xFFFFC180  }
0x54: {  	[spmem:s3] =	stream.indirect.scatter.add.f32 [tilespmem:s15], [sflag:$0x4], $0x80, s23, s13, $0xb8;
	[tilespmem:$0x1F700] =	vst v63  }
0x55: {  	_ =	swait.ge [sflag:s20], $0x3E80  }
0x56: {  	[sflag:s20] =	ssyncset.done $0x0  }
0x57: {  	[sflag:s20] =	ssyncadd.s32 $0xFFFFC180  }
0x58: {  	_ =	swait.ge [sflag:s21], $0x3E80  }
0x59: {  	[sflag:s21] =	ssyncset.done $0x0  }
0x5a: {  	s1 =	simm.s32 $0x200;
	[sflag:s21] =	ssyncadd.s32 $0xFFFFC180  }
0x5b: {  	[tilespmem:s14], [sflag:$0x1] =	stream.indirect.gather [hbm4b:s2+s13], $0x80, s1, s13, $0xb8;
	[tilespmem:$0x1F700] =	vst v63  }
0x5c: {  	s5 =	simm.s32 $0x280  }
0x5d: {  	[tilespmem:s15], [sflag:$0x2] =	stream.indirect.gather [hbm4b:s2+s13], $0x80, s5, s13, $0xb8;
	[tilespmem:$0x1F700] =	vst v63  }
0x5e: {  	_ =	swait.ge [sflag:s17], $0x3E80  }
0x5f: {  	[sflag:s17] =	ssyncset.done $0x0  }
0x60: {  	[sflag:s17] =	ssyncadd.s32 $0xFFFFC180  }
0x61: {  	[spmem:s3] =	stream.indirect.scatter.add.f32 [tilespmem:s14], [sflag:$0x3], $0x80, s24, s13, $0xb8;
	[tilespmem:$0x1F700] =	vst v63  }
0x62: {  	_ =	swait.ge [sflag:s18], $0x3E80  }
0x63: {  	[sflag:s18] =	ssyncset.done $0x0  }
0x64: {  	[sflag:s18] =	ssyncadd.s32 $0xFFFFC180  }
0x65: {  	[spmem:s3] =	stream.indirect.scatter.add.f32 [tilespmem:s15], [sflag:$0x4], $0x80, s25, s13, $0xb8;
	[tilespmem:$0x1F700] =	vst v63  }
0x66: {  	_ =	swait.ge [sflag:s20], $0x3E80  }
0x67: {  	[sflag:s20] =	ssyncset.done $0x0  }
0x68: {  	[sflag:s20] =	ssyncadd.s32 $0xFFFFC180  }
0x69: {  	_ =	swait.ge [sflag:s21], $0x3E80  }
0x6a: {  	[sflag:s21] =	ssyncset.done $0x0  }
0x6b: {  	s1 =	simm.s32 $0x300;
	[sflag:s21] =	ssyncadd.s32 $0xFFFFC180  }
0x6c: {  	[tilespmem:s14], [sflag:$0x1] =	stream.indirect.gather [hbm4b:s2+s13], $0x80, s1, s13, $0xb8;
	[tilespmem:$0x1F700] =	vst v63  }
0x6d: {  	s5 =	simm.s32 $0x380  }
0x6e: {  	[tilespmem:s15], [sflag:$0x2] =	stream.indirect.gather [hbm4b:s2+s13], $0x80, s5, s13, $0xb8;
	[tilespmem:$0x1F700] =	vst v63  }
0x6f: {  	_ =	swait.ge [sflag:s17], $0x3E80  }
0x70: {  	[sflag:s17] =	ssyncset.done $0x0  }
0x71: {  	[sflag:s17] =	ssyncadd.s32 $0xFFFFC180  }
0x72: {  	[spmem:s3] =	stream.indirect.scatter.add.f32 [tilespmem:s14], [sflag:$0x3], $0x80, s26, s13, $0xb8;
	[tilespmem:$0x1F700] =	vst v63  }
0x73: {  	_ =	swait.ge [sflag:s18], $0x3E80  }
0x74: {  	[sflag:s18] =	ssyncset.done $0x0  }
0x75: {  	[sflag:s18] =	ssyncadd.s32 $0xFFFFC180  }
0x76: {  	[spmem:s3] =	stream.indirect.scatter.add.f32 [tilespmem:s15], [sflag:$0x4], $0x80, s28, s13, $0xb8;
	[tilespmem:$0x1F700] =	vst v63  }
0x77: {  	_ =	swait.ge [sflag:s20], $0x3E80  }
0x78: {  	[sflag:s20] =	ssyncset.done $0x0  }
0x79: {  	[sflag:s20] =	ssyncadd.s32 $0xFFFFC180  }
0x7a: {  	s31 =	simm.s32 $0x1000;
	_ =	swait.ge [sflag:s21], $0x3E80  }
0x7b: {  	s30 =	sadd.s32 $0x80, s9;
	s1 =	simm.s32 $0x2000;
	[sflag:s21] =	ssyncset.done $0x0  }
.LBB2_6:
0x7c: {  	s0 =	sshra.s32 s31, $0x2  }
0x7d: {  	[sflag:s21] =	ssyncadd.s32 $0xFFFFC180;
	s31 =	smov.u32 s1;
	s5 =	sadd.s32 $0x1000, s1  }
0x7e: {  	[tilespmem:s14], [sflag:$0x1] =	stream.indirect.gather [hbm4b:s2+s13], $0x80, s0, s13, $0xb8;
	[tilespmem:$0x1F700] =	vst v63  }
0x7f: {  	p1 =	sne.s32 s1, $0x9000;
	s1 =	sadd.s32 $0x80, s0  }
0x80: {  	[tilespmem:s15], [sflag:$0x2] =	stream.indirect.gather [hbm4b:s2+s13], $0x80, s1, s13, $0xb8;
	[tilespmem:$0x1F700] =	vst v63  }
0x81: {  	_ = 	snop  }
0x82: {  	[tilespmem:s16], [sflag:$0x5] =	stream.linear.gather [hbm4b:s30+s4], $0x400, $0x38;
	[tilespmem:$0x1F700] =	vst v63  }
0x83: {  	_ =	swait.ge [sflag:s11], $0x400  }
0x84: {  	[sflag:s11] =	ssyncset.done $0x0  }
0x85: {  	[sflag:s11] =	ssyncadd.s32 $0xFFFFFC00  }
0x86: {  	_ =	swait.ge [sflag:s17], $0x3E80  }
0x87: {  	[sflag:s17] =	ssyncset.done $0x0  }
0x88: {  	[sflag:s17] =	ssyncadd.s32 $0xFFFFC180  }
0x89: {  	[spmem:s3] =	stream.indirect.scatter.add.f32 [tilespmem:s14], [sflag:$0x3], $0x80, s16, s13, $0xb8;
	[tilespmem:$0x1F700] =	vst v63  }
0x8a: {  	_ =	swait.ge [sflag:s18], $0x3E80  }
0x8b: {  	[sflag:s18] =	ssyncset.done $0x0  }
0x8c: {  	[sflag:s18] =	ssyncadd.s32 $0xFFFFC180  }
0x8d: {  	[spmem:s3] =	stream.indirect.scatter.add.f32 [tilespmem:s15], [sflag:$0x4], $0x80, s19, s13, $0xb8;
	[tilespmem:$0x1F700] =	vst v63  }
0x8e: {  	_ =	swait.ge [sflag:s20], $0x3E80  }
0x8f: {  	[sflag:s20] =	ssyncset.done $0x0  }
0x90: {  	[sflag:s20] =	ssyncadd.s32 $0xFFFFC180  }
0x91: {  	_ =	swait.ge [sflag:s21], $0x3E80  }
0x92: {  	[sflag:s21] =	ssyncset.done $0x0  }
0x93: {  	s1 =	sadd.s32 $0x100, s0;
	[sflag:s21] =	ssyncadd.s32 $0xFFFFC180  }
0x94: {  	[tilespmem:s14], [sflag:$0x1] =	stream.indirect.gather [hbm4b:s2+s13], $0x80, s1, s13, $0xb8;
	[tilespmem:$0x1F700] =	vst v63  }
0x95: {  	s1 =	sadd.s32 $0x180, s0  }
0x96: {  	[tilespmem:s15], [sflag:$0x2] =	stream.indirect.gather [hbm4b:s2+s13], $0x80, s1, s13, $0xb8;
	[tilespmem:$0x1F700] =	vst v63  }
0x97: {  	_ =	swait.ge [sflag:s17], $0x3E80  }
0x98: {  	[sflag:s17] =	ssyncset.done $0x0  }
0x99: {  	[sflag:s17] =	ssyncadd.s32 $0xFFFFC180  }
0x9a: {  	[spmem:s3] =	stream.indirect.scatter.add.f32 [tilespmem:s14], [sflag:$0x3], $0x80, s22, s13, $0xb8;
	[tilespmem:$0x1F700] =	vst v63  }
0x9b: {  	_ =	swait.ge [sflag:s18], $0x3E80  }
0x9c: {  	[sflag:s18] =	ssyncset.done $0x0  }
0x9d: {  	[sflag:s18] =	ssyncadd.s32 $0xFFFFC180  }
0x9e: {  	[spmem:s3] =	stream.indirect.scatter.add.f32 [tilespmem:s15], [sflag:$0x4], $0x80, s23, s13, $0xb8;
	[tilespmem:$0x1F700] =	vst v63  }
0x9f: {  	_ =	swait.ge [sflag:s20], $0x3E80  }
0xa0: {  	[sflag:s20] =	ssyncset.done $0x0  }
0xa1: {  	[sflag:s20] =	ssyncadd.s32 $0xFFFFC180  }
0xa2: {  	_ =	swait.ge [sflag:s21], $0x3E80  }
0xa3: {  	[sflag:s21] =	ssyncset.done $0x0  }
0xa4: {  	s1 =	sadd.s32 $0x200, s0;
	[sflag:s21] =	ssyncadd.s32 $0xFFFFC180  }
0xa5: {  	[tilespmem:s14], [sflag:$0x1] =	stream.indirect.gather [hbm4b:s2+s13], $0x80, s1, s13, $0xb8;
	[tilespmem:$0x1F700] =	vst v63  }
0xa6: {  	s1 =	sadd.s32 $0x280, s0  }
0xa7: {  	[tilespmem:s15], [sflag:$0x2] =	stream.indirect.gather [hbm4b:s2+s13], $0x80, s1, s13, $0xb8;
	[tilespmem:$0x1F700] =	vst v63  }
0xa8: {  	_ =	swait.ge [sflag:s17], $0x3E80  }
0xa9: {  	[sflag:s17] =	ssyncset.done $0x0  }
0xaa: {  	[sflag:s17] =	ssyncadd.s32 $0xFFFFC180  }
0xab: {  	[spmem:s3] =	stream.indirect.scatter.add.f32 [tilespmem:s14], [sflag:$0x3], $0x80, s24, s13, $0xb8;
	[tilespmem:$0x1F700] =	vst v63  }
0xac: {  	_ =	swait.ge [sflag:s18], $0x3E80  }
0xad: {  	[sflag:s18] =	ssyncset.done $0x0  }
0xae: {  	[sflag:s18] =	ssyncadd.s32 $0xFFFFC180  }
0xaf: {  	[spmem:s3] =	stream.indirect.scatter.add.f32 [tilespmem:s15], [sflag:$0x4], $0x80, s25, s13, $0xb8;
	[tilespmem:$0x1F700] =	vst v63  }
0xb0: {  	_ =	swait.ge [sflag:s20], $0x3E80  }
0xb1: {  	[sflag:s20] =	ssyncset.done $0x0  }
0xb2: {  	[sflag:s20] =	ssyncadd.s32 $0xFFFFC180  }
0xb3: {  	_ =	swait.ge [sflag:s21], $0x3E80  }
0xb4: {  	[sflag:s21] =	ssyncset.done $0x0  }
0xb5: {  	s1 =	sadd.s32 $0x300, s0;
	[sflag:s21] =	ssyncadd.s32 $0xFFFFC180  }
0xb6: {  	[tilespmem:s14], [sflag:$0x1] =	stream.indirect.gather [hbm4b:s2+s13], $0x80, s1, s13, $0xb8;
	[tilespmem:$0x1F700] =	vst v63  }
0xb7: {  	s0 =	sadd.s32 $0x380, s0  }
0xb8: {  	[tilespmem:s15], [sflag:$0x2] =	stream.indirect.gather [hbm4b:s2+s13], $0x80, s0, s13, $0xb8;
	[tilespmem:$0x1F700] =	vst v63  }
0xb9: {  	_ =	swait.ge [sflag:s17], $0x3E80  }
0xba: {  	[sflag:s17] =	ssyncset.done $0x0  }
0xbb: {  	[sflag:s17] =	ssyncadd.s32 $0xFFFFC180  }
0xbc: {  	[spmem:s3] =	stream.indirect.scatter.add.f32 [tilespmem:s14], [sflag:$0x3], $0x80, s26, s13, $0xb8;
	[tilespmem:$0x1F700] =	vst v63  }
0xbd: {  	_ =	swait.ge [sflag:s18], $0x3E80  }
0xbe: {  	[sflag:s18] =	ssyncset.done $0x0  }
0xbf: {  	[sflag:s18] =	ssyncadd.s32 $0xFFFFC180  }
0xc0: {  	[spmem:s3] =	stream.indirect.scatter.add.f32 [tilespmem:s15], [sflag:$0x4], $0x80, s28, s13, $0xb8;
	[tilespmem:$0x1F700] =	vst v63  }
.Ltmp3:
0xc1: {  	_ =	swait.ge [sflag:s20], $0x3E80;
	(pc) =	sbr.rel @p1 .LBB2_6-.Ltmp3, $4  }
0xc2: {  	[sflag:s20] =	ssyncset.done $0x0  }
0xc3: {  	[sflag:s20] =	ssyncadd.s32 $0xFFFFC180  }
0xc4: {  	_ =	swait.ge [sflag:s21], $0x3E80  }
0xc5: {  	s30 =	sadd.s32 $0x80, s30;
	s1 =	smov.u32 s5;
	[sflag:s21] =	ssyncset.done $0x0  }
0xc6: {  	s0 =	sshra.s32 s31, $0x2;
	[sflag:s21] =	ssyncadd.s32 $0xFFFFC180  }
0xc7: {  	[tilespmem:s14], [sflag:$0x1] =	stream.indirect.gather [hbm4b:s2+s13], $0x80, s0, s13, $0xb8;
	[tilespmem:$0x1F700] =	vst v63  }
0xc8: {  	s1 =	sadd.s32 $0x80, s0  }
0xc9: {  	[tilespmem:s15], [sflag:$0x2] =	stream.indirect.gather [hbm4b:s2+s13], $0x80, s1, s13, $0xb8;
	[tilespmem:$0x1F700] =	vst v63  }
0xca: {  	_ = 	snop  }
0xcb: {  	[tilespmem:s16], [sflag:$0x5] =	stream.linear.gather [hbm4b:s30+s4], $0x400, $0x38;
	[tilespmem:$0x1F700] =	vst v63  }
0xcc: {  	_ =	swait.ge [sflag:s11], $0x400  }
0xcd: {  	[sflag:s11] =	ssyncset.done $0x0  }
0xce: {  	[sflag:s11] =	ssyncadd.s32 $0xFFFFFC00  }
0xcf: {  	_ =	swait.ge [sflag:s17], $0x3E80  }
0xd0: {  	[sflag:s17] =	ssyncset.done $0x0  }
0xd1: {  	[sflag:s17] =	ssyncadd.s32 $0xFFFFC180  }
0xd2: {  	[spmem:s3] =	stream.indirect.scatter.add.f32 [tilespmem:s14], [sflag:$0x3], $0x80, s16, s13, $0xb8;
	[tilespmem:$0x1F700] =	vst v63  }
0xd3: {  	_ =	swait.ge [sflag:s18], $0x3E80  }
0xd4: {  	[sflag:s18] =	ssyncset.done $0x0  }
0xd5: {  	[sflag:s18] =	ssyncadd.s32 $0xFFFFC180  }
0xd6: {  	[spmem:s3] =	stream.indirect.scatter.add.f32 [tilespmem:s15], [sflag:$0x4], $0x80, s19, s13, $0xb8;
	[tilespmem:$0x1F700] =	vst v63  }
0xd7: {  	_ =	swait.ge [sflag:s20], $0x3E80  }
0xd8: {  	[sflag:s20] =	ssyncset.done $0x0  }
0xd9: {  	[sflag:s20] =	ssyncadd.s32 $0xFFFFC180  }
0xda: {  	_ =	swait.ge [sflag:s21], $0x3E80  }
0xdb: {  	[sflag:s21] =	ssyncset.done $0x0  }
0xdc: {  	s5 =	sadd.s32 $0x100, s0;
	[sflag:s21] =	ssyncadd.s32 $0xFFFFC180  }
0xdd: {  	[tilespmem:s14], [sflag:$0x1] =	stream.indirect.gather [hbm4b:s2+s13], $0x80, s5, s13, $0xb8;
	[tilespmem:$0x1F700] =	vst v63  }
0xde: {  	s5 =	sadd.s32 $0x180, s0  }
0xdf: {  	[tilespmem:s15], [sflag:$0x2] =	stream.indirect.gather [hbm4b:s2+s13], $0x80, s5, s13, $0xb8;
	[tilespmem:$0x1F700] =	vst v63  }
0xe0: {  	_ =	swait.ge [sflag:s17], $0x3E80  }
0xe1: {  	[sflag:s17] =	ssyncset.done $0x0  }
0xe2: {  	[sflag:s17] =	ssyncadd.s32 $0xFFFFC180  }
0xe3: {  	[spmem:s3] =	stream.indirect.scatter.add.f32 [tilespmem:s14], [sflag:$0x3], $0x80, s22, s13, $0xb8;
	[tilespmem:$0x1F700] =	vst v63  }
0xe4: {  	_ =	swait.ge [sflag:s18], $0x3E80  }
0xe5: {  	[sflag:s18] =	ssyncset.done $0x0  }
0xe6: {  	[sflag:s18] =	ssyncadd.s32 $0xFFFFC180  }
0xe7: {  	[spmem:s3] =	stream.indirect.scatter.add.f32 [tilespmem:s15], [sflag:$0x4], $0x80, s23, s13, $0xb8;
	[tilespmem:$0x1F700] =	vst v63  }
0xe8: {  	_ =	swait.ge [sflag:s20], $0x3E80  }
0xe9: {  	[sflag:s20] =	ssyncset.done $0x0  }
0xea: {  	[sflag:s20] =	ssyncadd.s32 $0xFFFFC180  }
0xeb: {  	_ =	swait.ge [sflag:s21], $0x3E80  }
0xec: {  	[sflag:s21] =	ssyncset.done $0x0  }
0xed: {  	s5 =	sadd.s32 $0x200, s0;
	[sflag:s21] =	ssyncadd.s32 $0xFFFFC180  }
0xee: {  	[tilespmem:s14], [sflag:$0x1] =	stream.indirect.gather [hbm4b:s2+s13], $0x80, s5, s13, $0xb8;
	[tilespmem:$0x1F700] =	vst v63  }
0xef: {  	s5 =	sadd.s32 $0x280, s0  }
0xf0: {  	[tilespmem:s15], [sflag:$0x2] =	stream.indirect.gather [hbm4b:s2+s13], $0x80, s5, s13, $0xb8;
	[tilespmem:$0x1F700] =	vst v63  }
0xf1: {  	_ =	swait.ge [sflag:s17], $0x3E80  }
0xf2: {  	[sflag:s17] =	ssyncset.done $0x0  }
0xf3: {  	[sflag:s17] =	ssyncadd.s32 $0xFFFFC180  }
0xf4: {  	[spmem:s3] =	stream.indirect.scatter.add.f32 [tilespmem:s14], [sflag:$0x3], $0x80, s24, s13, $0xb8;
	[tilespmem:$0x1F700] =	vst v63  }
0xf5: {  	_ =	swait.ge [sflag:s18], $0x3E80  }
0xf6: {  	[sflag:s18] =	ssyncset.done $0x0  }
0xf7: {  	[sflag:s18] =	ssyncadd.s32 $0xFFFFC180  }
0xf8: {  	[spmem:s3] =	stream.indirect.scatter.add.f32 [tilespmem:s15], [sflag:$0x4], $0x80, s25, s13, $0xb8;
	[tilespmem:$0x1F700] =	vst v63  }
0xf9: {  	_ =	swait.ge [sflag:s20], $0x3E80  }
0xfa: {  	[sflag:s20] =	ssyncset.done $0x0  }
0xfb: {  	[sflag:s20] =	ssyncadd.s32 $0xFFFFC180  }
0xfc: {  	_ =	swait.ge [sflag:s21], $0x3E80  }
0xfd: {  	[sflag:s21] =	ssyncset.done $0x0  }
0xfe: {  	s5 =	sadd.s32 $0x300, s0;
	[sflag:s21] =	ssyncadd.s32 $0xFFFFC180  }
0xff: {  	[tilespmem:s14], [sflag:$0x1] =	stream.indirect.gather [hbm4b:s2+s13], $0x80, s5, s13, $0xb8;
	[tilespmem:$0x1F700] =	vst v63  }
0x100: {  	s0 =	sadd.s32 $0x380, s0  }
0x101: {  	[tilespmem:s15], [sflag:$0x2] =	stream.indirect.gather [hbm4b:s2+s13], $0x80, s0, s13, $0xb8;
	[tilespmem:$0x1F700] =	vst v63  }
0x102: {  	_ =	swait.ge [sflag:s17], $0x3E80  }
0x103: {  	[sflag:s17] =	ssyncset.done $0x0  }
0x104: {  	[sflag:s17] =	ssyncadd.s32 $0xFFFFC180  }
0x105: {  	[spmem:s3] =	stream.indirect.scatter.add.f32 [tilespmem:s14], [sflag:$0x3], $0x80, s26, s13, $0xb8;
	[tilespmem:$0x1F700] =	vst v63  }
0x106: {  	_ =	swait.ge [sflag:s18], $0x3E80  }
0x107: {  	[sflag:s18] =	ssyncset.done $0x0  }
0x108: {  	[sflag:s18] =	ssyncadd.s32 $0xFFFFC180  }
0x109: {  	[spmem:s3] =	stream.indirect.scatter.add.f32 [tilespmem:s15], [sflag:$0x4], $0x80, s28, s13, $0xb8;
	[tilespmem:$0x1F700] =	vst v63  }
0x10a: {  	_ =	swait.ge [sflag:s20], $0x3E80  }
0x10b: {  	[sflag:s20] =	ssyncset.done $0x0  }
0x10c: {  	[sflag:s20] =	ssyncadd.s32 $0xFFFFC180  }
0x10d: {  	_ =	swait.ge [sflag:s21], $0x3E80  }
.Ltmp4:
0x10e: {  	s1 =	stileid.u32;
	[sflag:s21] =	ssyncset.done $0x0;
	(pc) =	sbr.rel @!p0 .LBB2_9-.Ltmp4, $4  }
0x10f: {  	s31 =	smov.u32 s7;
	s0 =	sshll.u32 s1, $0x6;
	[sflag:s21] =	ssyncadd.s32 $0xFFFFC180  }
0x110: {  	s5 =	sshrl.u32 s7, $0x3;
	s0 =	sor.u32 $0x1C05, s0;
	[bflag:$0x0] =	sbarrier.arrive $0xFFFF  }
0x111: {  	[hbm:s10], [sflag:s0] =	dma.local [spmem:s5], $0x200  }
0x112: {  	s30 =	sadd.s32 $0x200, s10;
	s1 =	sadd.s32 $0xFFFFFFFF, s6;
	_ =	swait.ge [sflag:s11], $0x200  }
.LBB2_8:
0x113: {  	[sflag:s11] =	ssyncset.done $0x0;
	s31 =	sadd.s32 $0x1000, s31;
	p0 =	sne.s32 s1, $0x1  }
.Ltmp5:
0x114: {  	s5 =	sshrl.u32 s31, $0x3;
	[sflag:s11] =	ssyncadd.s32 $0xFFFFFE00;
	(pc) =	sbr.rel @p0 .LBB2_8-.Ltmp5, $3  }
0x115: {  	[hbm:s30], [sflag:s0] =	dma.local [spmem:s5], $0x200  }
0x116: {  	s1 =	sadd.s32 $0xFFFFFFFF, s1;
	_ =	sdelay $0x1  }
0x117: {  	s30 =	sadd.s32 $0x200, s30;
	_ =	swait.ge [sflag:s11], $0x200  }
.LBB2_9:
0x118: {  	s29 =	sadd.s32 $0x1, s29  }
0x119: {  	p0 =	sne.s32 s29, s8  }
.Ltmp6:
0x11a: {  	_ = 	snop;
	(pc) =	sbr.rel @p0 .LBB2_1-.Ltmp6, $3  }
0x11b: {  	_ =	sdelay $0x1  }
0x11c: {  	[sflag:s11] =	ssyncset.done $0x0  }
0x11d: {  	[sflag:s11] =	ssyncadd.s32 $0xFFFFFE00  }
0x11e: {  	_ =	sfence.sel $0x180000  }
0x11f: {  	[bflag:$0x0] =	sbarrier.arrive $0xFFFF  }
0x120: {  	_ =	strace $0x9000004D  }
0x121: {  	s0 =	stileid.u32;
	[bflag:$0x2] =	sbarrier.arrive $0xFFFF  }
0x122: {  	p0 =	sne.s32 s0, $0x0;
	s0 =	rddreg [dreg:$0x3]  }
0x123: {  	s0 =	sadd.s32 @!p0 $0x100000, s0  }
0x124: {  	[sflag:s0] =	ssyncadd.tile.s32 @!p0 $0x1;
	_ =	shalt  }
.Lfunc_end2:
_tile_overlayer_lowered:
.L_overlay_start_2:
0x125: {  	(tag) =	ssettag $0x2  }
0x126: {  	s0 =	rddreg [dreg:$0x0];
	s2 =	stileid.u32  }
0x127: {  	s1 =	rddreg [dreg:$0x1];
	p0 =	sne.s32 s2, $0x0  }
0x128: {  	s3 =	rddreg [dreg:$0x2];
	[bflag:$0x3] =	sbarrier.arrive $0xFFFF;
	s2 =	simm.s32 @!p0 $0x1C05  }
0x129: {  	[timem:s3], [sflag:s2] =	dma.local @!p0 [hbm:s0], s1  }
0x12a: {  	s0 =	simm.s32 @!p0 $0x5  }
0x12b: {  	_ =	swait.ge @!p0 [sflag:s0], s1  }
0x12c: {  	s1 =	ssub.s32 @!p0 $0x0, s1;
	[sflag:s0] =	ssyncset.done @!p0 $0x0  }
0x12d: {  	[sflag:s0] =	ssyncadd.s32 @!p0 s1  }
0x12e: {  	[bflag:$0x3] =	sbarrier.arrive $0xFFFF  }
0x12f: {  	_ =	shalt  }

// kernel: kernel.8.cloned.1.call-start
scs
__scs_entry_jumppad:
0x0: {  	(pc) =	sbr.rel $0x88, $3  }
0x1: {  	(tag) =	ssettag $0x0;
	lr =	simm.s32 $0x1  }
0x2: {  	[smem:$0x3F99] =	sst lr;
	_ =	strace $0xD0000000  }
0x3: {  	_ = 	snop  }
0x4: {  	_ = 	snop  }
0x5: {  	_ = 	snop  }
0x6: {  	_ = 	snop  }
0x7: {  	_ = 	snop  }
__scs_overlays_trampoline_lowered:
0x8: {  	[smem:$0x3FA8] =	sst s0  }
0x9: {  	[smem:$0x3FA9] =	sst s1  }
0xa: {  	[smem:$0x3FAA] =	sst s2  }
0xb: {  	[smem:$0x3FAB] =	sst s3  }
0xc: {  	[smem:$0x3FAC] =	sst s4  }
0xd: {  	[smem:$0x3FAD] =	sst s5  }
0xe: {  	[smem:$0x3FAE] =	sst s6  }
0xf: {  	[smem:$0x3FAF] =	sst s7  }
0x10: {  	[smem:$0x3FB0] =	sst s8  }
0x11: {  	[smem:$0x3FB1] =	sst s9;
	s0 =	simm.s32 @!p0 $0x0  }
0x12: {  	s1 =	sld [smem:$0x3F97];
	s0 =	simm.s32 @p0 $0x1  }
0x13: {  	[smem:$0x3FB2] =	sst s0;
	s0 =	simm.s32 @!p1 $0x0  }
0x14: {  	s2 =	sld [smem:$0x3F96];
	s0 =	simm.s32 @p1 $0x1  }
0x15: {  	[smem:$0x3FB3] =	sst s0;
	s0 =	simm.s32 @!p2 $0x0  }
0x16: {  	s3 =	sld [smem:$0x3FDB];
	s0 =	simm.s32 @p2 $0x1  }
0x17: {  	s4 =	simm.s32 $0x1BF5;
	[smem:$0x3FB5] =	sst s0  }
0x18: {  	s0 =	sld [smem:$0x3F98];
	_ =	swait.ge [sflag:s4], $0x0  }
0x19: {  	s7 =	sld [smem:$0x3F99]  }
0x1a: {  	s8 =	sadd.s32 $0xFFFFE003, lr  }
0x1b: {  	s9 =	sadd.s32 $0xFFFFFEF7, lr;
	s5 =	simm.s32 $0xFFFFFFFF;
	p2 =	slt.u32 s8, $0xFFFFF086  }
0x1c: {  	p1 =	slt.u32 s9, $0xF7A;
	s5 =	simm.s32 @!p2 $0x0  }
0x1d: {  	s5 =	simm.s32 @p1 $0x1;
	p0 =	seq.s32 s7, s2  }
0x1e: {  	s7 =	smul.u32 @!p0 $0xF7A, s2;
	p2 =	seq.s32 @!p0 s5, $0x0  }
0x1f: {  	s9 =	smul.u32 $0xF7A, s1;
	s8 =	simm.s32 @!p0 $0x1BF5;
	p2 =	por !p2, p0  }
0x20: {  	[sflag:s8] =	ssyncset.s32 @!p0 $0xFFFFF086;
	s6 =	sadd.s32 @!p0 s3, s7;
	s7 =	simm.s32 @!p0 $0x108  }
0x21: {  	s3 =	sadd.s32 s3, s9;
	s6 =	sadd.s32 @!p0 $0x88, s6;
	s7 =	simm.s32 @p2 $0x1082  }
0x22: {  	[simem:s7], [sflag:s8] =	dma.local @!p0 [hbm:s6], $0xF7A  }
0x23: {  	s9 =	sor.u32 $0xD0000000, s2;
	s6 =	simm.s32 $0x108;
	_ =	swait.ge @!p0 [sflag:s8], $0x0  }
0x24: {  	s3 =	sadd.s32 $0x88, s3;
	s6 =	simm.s32 @!p1 $0x1082;
	[sflag:s4] =	ssyncset.s32 $0xFFFFF086  }
0x25: {  	[simem:s6], [sflag:s4] =	dma.local [hbm:s3], $0xF7A  }
0x26: {  	[smem:$0x3F99] =	sst s1;
	(tag) =	ssettag s2;
	_ =	strace s9  }
0x27: {  	s1 =	sld [smem:$0x3FA9]  }
0x28: {  	s2 =	sld [smem:$0x3FAA]  }
0x29: {  	s4 =	sld [smem:$0x3FAC]  }
0x2a: {  	p0 =	seq.s32 s5, $0x0;
	s5 =	sld [smem:$0x3FAD]  }
0x2b: {  	s6 =	sld [smem:$0x3FAE]  }
0x2c: {  	s7 =	sld [smem:$0x3FAF]  }
0x2d: {  	s3 =	simm.s32 $0x108;
	s8 =	sld [smem:$0x3FB0]  }
0x2e: {  	s3 =	simm.s32 @!p0 $0x1082;
	s9 =	sld [smem:$0x3FB1]  }
0x2f: {  	lr =	sadd.s32 s0, s3;
	s0 =	sld [smem:$0x3FA8]  }
0x30: {  	s3 =	sld [smem:$0x3FAB]  }
0x31: {  	[smem:$0x3FB4] =	sst s10  }
0x32: {  	s10 =	sld [smem:$0x3FB2];
	_ =	sdelay $0x3  }
0x33: {  	p0 =	seq.s32 s10, $0x1;
	s10 =	sld [smem:$0x3FB4];
	_ =	sdelay $0x3  }
0x34: {  	[smem:$0x3FB4] =	sst s10  }
0x35: {  	s10 =	sld [smem:$0x3FB3];
	_ =	sdelay $0x3  }
0x36: {  	p1 =	seq.s32 s10, $0x1;
	s10 =	sld [smem:$0x3FB4];
	_ =	sdelay $0x3  }
0x37: {  	[smem:$0x3FB4] =	sst s10  }
0x38: {  	s10 =	sld [smem:$0x3FB5]  }
0x39: {  	_ = 	snop;
	(pc) =	sbr.ind lr, $3  }
0x3a: {  	_ = 	snop  }
0x3b: {  	_ = 	snop  }
0x3c: {  	p2 =	seq.s32 s10, $0x1;
	s10 =	sld [smem:$0x3FB4]  }
0x3d: {  	_ =	shalt  }
0x3e: {  	_ =	shalt  }
0x3f: {  	_ =	shalt  }
0x40: {  	_ =	shalt  }
0x41: {  	_ =	shalt  }
0x42: {  	_ =	shalt  }
0x43: {  	_ =	shalt  }
0x44: {  	_ =	shalt  }
0x45: {  	_ =	shalt  }
0x46: {  	_ =	shalt  }
0x47: {  	_ =	shalt  }
0x48: {  	_ =	shalt  }
0x49: {  	_ =	shalt  }
0x4a: {  	_ =	shalt  }
0x4b: {  	_ =	shalt  }
0x4c: {  	_ =	shalt  }
0x4d: {  	_ =	shalt  }
0x4e: {  	_ =	shalt  }
0x4f: {  	_ =	shalt  }
0x50: {  	_ =	shalt  }
0x51: {  	_ =	shalt  }
0x52: {  	_ =	shalt  }
0x53: {  	_ =	shalt  }
0x54: {  	_ =	shalt  }
0x55: {  	_ =	shalt  }
0x56: {  	_ =	shalt  }
0x57: {  	_ =	shalt  }
0x58: {  	_ =	shalt  }
0x59: {  	_ =	shalt  }
0x5a: {  	_ =	shalt  }
0x5b: {  	_ =	shalt  }
0x5c: {  	_ =	shalt  }
0x5d: {  	_ =	shalt  }
0x5e: {  	_ =	shalt  }
0x5f: {  	_ =	shalt  }
0x60: {  	_ =	shalt  }
0x61: {  	_ =	shalt  }
0x62: {  	_ =	shalt  }
0x63: {  	_ =	shalt  }
0x64: {  	_ =	shalt  }
0x65: {  	_ =	shalt  }
0x66: {  	_ =	shalt  }
0x67: {  	_ =	shalt  }
0x68: {  	_ =	shalt  }
0x69: {  	_ =	shalt  }
0x6a: {  	_ =	shalt  }
0x6b: {  	_ =	shalt  }
0x6c: {  	_ =	shalt  }
0x6d: {  	_ =	shalt  }
0x6e: {  	_ =	shalt  }
0x6f: {  	_ =	shalt  }
0x70: {  	_ =	shalt  }
0x71: {  	_ =	shalt  }
0x72: {  	_ =	shalt  }
0x73: {  	_ =	shalt  }
0x74: {  	_ =	shalt  }
0x75: {  	_ =	shalt  }
0x76: {  	_ =	shalt  }
0x77: {  	_ =	shalt  }
0x78: {  	_ =	shalt  }
0x79: {  	_ =	shalt  }
0x7a: {  	_ =	shalt  }
0x7b: {  	_ =	shalt  }
0x7c: {  	_ =	shalt  }
0x7d: {  	_ =	shalt  }
0x7e: {  	_ =	shalt  }
0x7f: {  	_ =	shalt  }
0x80: {  	_ =	shalt  }
0x81: {  	_ =	shalt  }
0x82: {  	_ =	shalt  }
0x83: {  	_ =	shalt  }
0x84: {  	_ =	shalt  }
0x85: {  	_ =	shalt  }
0x86: {  	_ =	shalt  }
0x87: {  	_ =	shalt  }
.Lfunc_end0:
.L_simem_size_0:
called_computation_lowered:
.L_overlay_start_0:
0x88: {  	s2 =	sld [smem:$0x3FD9]  }
0x89: {  	s3 =	sld [smem:$0x3FFE];
	_ =	sdelay $0x1  }
0x8a: {  	s1 =	srdreg.scid  }
0x8b: {  	s0 =	sand.u32 $0x1, s1  }
0x8c: {  	s16 =	sshll.u32 s0, $0xA;
	s2 =	sadd.s32 s3, s2  }
0x8d: {  	s2 =	sadd.s32 s2, s16  }
0x8e: {  	[smem:$0x3FC0] =	sst s2  }
0x8f: {  	_ = 	snop  }
0x90: {  	(tm) =	ssettm $0x1  }
0x91: {  	s17 =	sld [smem:$0x3FFB];
	_ =	sdelay $0x3  }
0x92: {  	_ =	strace s17  }
0x93: {  	s2 =	sld [smem:$0x3FFC];
	_ =	sdelay $0x3  }
0x94: {  	_ =	strace s2  }
0x95: {  	s2 =	sld [smem:$0x3FFD];
	_ =	sdelay $0x3  }
0x96: {  	_ =	strace s2  }
0x97: {  	_ =	strace $0x8FFFFFFF  }
0x98: {  	s18 =	sld [smem:$0x3FDB];
	_ =	sdelay $0x1  }
0x99: {  	s19 =	simm.s32 $_scs_section_size  }
0x9a: {  	s4 =	simm.s32 $_size__tile_overlayer_lowered;
	s5 =	simm.s32 $_tile_overlayer_lowered  }
0x9b: {  	s22 =	simm.s32 $0x1BFF;
	s21 =	sshll.u32 s5, $0x1;
	s2 =	sadd.s32 s19, s18  }
0x9c: {  	s6 =	simm.s32 $0x0;
	s20 =	sshll.u32 s4, $0x1;
	s4 =	sadd.s32 s21, s2  }
0x9d: {  	[timem:s6], [sflag:s22] =	dma.local [hbm:s4], s20  }
0x9e: {  	_ =	swait.ge [sflag:s22], s20  }
0x9f: {  	s3 =	ssub.s32 $0x0, s20;
	[sflag:s22] =	ssyncset.done $0x0  }
0xa0: {  	[sflag:s22] =	ssyncadd.s32 s3;
	_ =	sdelay $0x1  }
0xa1: {  	s23 =	simm.s32 $0x1B8B  }
0xa2: {  	_ =	swait.ge [sflag:s23], $0x1  }
0xa3: {  	[sflag:s23] =	ssyncset.done $0x0  }
0xa4: {  	s25 =	simm.s32 $0x1B8E;
	s24 =	sld [smem:$0x3FFE];
	[sflag:s23] =	ssyncadd.s32 $0xFFFFFFFF  }
0xa5: {  	s26 =	simm.s32 $execute0_lowered;
	[smem:$0x3FD2] =	sst s25  }
0xa6: {  	s4 =	sshll.u32 s26, $0x1;
	_ =	strace $0x80000046;
	[dreg:$0x1] =	wrdreg $0xFFFFFFFF  }
0xa7: {  	s28 =	simm.s32 $_size_execute0_lowered;
	s2 =	sadd.s32 s2, s4;
	[dreg:$0x0] =	wrdreg $0x0  }
0xa8: {  	s4 =	sshll.u32 s28, $0x1;
	[dreg:$0x2] =	wrdreg s2  }
0xa9: {  	[dreg:$0x3] =	wrdreg s4  }
0xaa: {  	[dreg:$0x4] =	wrdreg $0xC0  }
0xab: {  	_ =	task [dreg:s6], $0x5FFFF  }
0xac: {  	[dreg:$0x1] =	wrdreg $0xFFFFFFFF  }
0xad: {  	[dreg:$0x0] =	wrdreg $0x60  }
0xae: {  	[dreg:$0x2] =	wrdreg s24  }
0xaf: {  	[dreg:$0x3] =	wrdreg $0x78000  }
0xb0: {  	[dreg:$0x4] =	wrdreg $0x9  }
0xb1: {  	_ =	task.clear_ibuf [dreg:s6], $0x5FFFF;
	_ =	strace $0x90000046  }
0xb2: {  	s29 =	simm.s32 $0x9;
	_ =	strace $0x80000048  }
0xb3: {  	_ =	swait.ge [sflag:s29], $0x1  }
0xb4: {  	[sflag:s29] =	ssyncadd.s32 $0xFFFFFFFF  }
0xb5: {  	_ =	strace $0x90000048  }
0xb6: {  	_ =	sfence  }
0xb7: {  	s30 =	sld [smem:$0x0];
	_ =	sdelay $0x2  }
0xb8: {  	s31 =	sshll.u32 s1, $0xD;
	s1 =	sshrl.u32 s1, $0x2  }
0xb9: {  	s3 =	sand.u32 $0x4000, s31;
	s1 =	sadd.s32 s1, s30  }
0xba: {  	s0 =	sor.u32 s3, s0;
	s1 =	sshll.u32 s1, $0x11  }
0xbb: {  	s0 =	sor.u32 s1, s0  }
0xbc: {  	s0 =	sadd.s32 $0x8F2B, s0  }
0xbd: {  	[sflag:s0] =	ssyncadd.remote.s32 $0x1  }
0xbe: {  	_ =	sfence.sel $0xFFFF  }
0xbf: {  	[dreg:$0x0] =	wrdreg $0xFFFFFFFF;
	(pc) =	sbr.abs _section_cstart, $3  }
0xc0: {  	[dreg:$0x1] =	wrdreg $0xFFFFFFFF  }
0xc1: {  	_ =	task.clear_ibuf [dreg:s6], $0x2FFFF;
	_ =	strace $0x9FFFFFFF  }
0xc2: {  	(tm) =	ssettm $0x7FFFFFFF  }
0xc3: {  	_ =	shalt  }
tec
execute0_lowered:
.L_overlay_start_1:
0x0: {  	(tag) =	ssettag $0x1  }
0x1: {  	s4 =	rddreg [dreg:$0x0]  }
0x2: {  	s2 =	rddreg [dreg:$0x1];
	s1 =	srdreg.scid  }
0x3: {  	s0 =	rddreg [dreg:$0x2];
	s3 =	simm.s32 $0x0;
	s10 =	simm.s32 $0x6800  }
0x4: {  	s11 =	simm.s32 $0x7D;
	s12 =	simm.s32 $0x2800;
	s13 =	simm.s32 $0x80  }
0x5: {  	s14 =	simm.s32 $0x100;
	s15 =	simm.s32 $0x180;
	s16 =	simm.s32 $0x200  }
0x6: {  	s17 =	simm.s32 $0x280;
	s18 =	simm.s32 $0x300;
	s19 =	simm.s32 $0x380  }
0x7: {  	s20 =	simm.s32 $0x1;
	s5 =	sand.u32 $0x1, s1;
	s1 =	stileid.u32  }
0x8: {  	s22 =	simm.s32 $0x0;
	[smem:$0x7FF] =	sst s3;
	s7 =	smul.u32 $0x13B000, s5  }
0x9: {  	s6 =	sshll.u32 s5, $0x4;
	s8 =	smul.u32 $0x14000, s1;
	_ =	strace $0x80000047  }
0xa: {  	s5 =	ssub.s32 $0x2, s5;
	s30 =	smul.u32 $0x50000, s1;
	p0 =	seq.s32 s1, $0xF  }
0xb: {  	s21 =	sshll.u32 s1, $0x6;
	s6 =	sor.u32 s1, s6;
	s29 =	sshrl.u32 s5, $0x1  }
0xc: {  	s21 =	sor.u32 $0x1C02, s21;
	s6 =	smul.u32 $0x500, s6;
	s7 =	sadd.s32 s8, s7  }
0xd: {  	s9 =	ssub.s32 s5, s29;
	s31 =	sshrl.u32 s30, $0x2;
	s7 =	sshrl.u32 s7, $0x3  }
0xe: {  	s6 =	sadd.s32 s6, s4;
	s28 =	sadd.s32 s7, s4;
	s4 =	simm.s32 $0xF  }
0xf: {  	s7 =	smax.u32 s9, $0x1;
	s9 =	simm.s32 $0x2;
	s5 =	sadd.s32 $0x2600, s6  }
0x10: {  	v0 =	vimm.f32 $1.000000000e+00;
	v1 =	vimm.f32 $0.0e+00;
	s4 =	simm.s32 @!p0 $0x14;
	s6 =	sadd.s32 s31, s2;
	s8 =	sadd.s32 $0xC600, s28  }
.LBB2_1:
0x11: {  	[tilespmem:s3], [sflag:$0x2] =	stream.linear.gather [hbm4b:s5+s3], $0x2800, $0x38;
	[tilespmem:$0x9F60] =	vst v63  }
0x12: {  	_ =	swait.ge [sflag:s9], $0x2800  }
0x13: {  	[sflag:s9] =	ssyncset.done $0x0  }
0x14: {  	s23 =	simm.s32 $0x200;
	s24 =	simm.s32 $0x0;
	[sflag:s9] =	ssyncadd.s32 $0xFFFFD800  }
.LBB2_2:
0x15: {  	p0 =	sne.s32 s23, $0xF800;
	[tilespmem:s24+$0x2800] =	vst v0;
	s24 =	smov.u32 s23;
	s23 =	sadd.s32 $0x200, s23  }
.Ltmp0:
0x16: {  	(pc) =	sbr.rel @p0 .LBB2_2-.Ltmp0, $2  }
0x17: {  	_ =	sdelay $0x2  }
0x18: {  	s24 =	sshra.s32 s24, $0x2  }
0x19: {  	[tilespmem:s24+$0x2800] =	vst v0  }
0x1a: {  	[tilespmem:$0x6800] =	vst v1  }
0x1b: {  	[tilespmem:$0x6880] =	vst v1  }
0x1c: {  	[tilespmem:$0x6900] =	vst v1  }
0x1d: {  	[tilespmem:$0x6980] =	vst v1  }
0x1e: {  	[tilespmem:$0x6A00] =	vst v1  }
0x1f: {  	[tilespmem:$0x6A80] =	vst v1  }
0x20: {  	[tilespmem:$0x6B00] =	vst v1  }
0x21: {  	[tilespmem:$0x6B80] =	vst v1  }
0x22: {  	[tilespmem:$0x6C00] =	vst v1  }
0x23: {  	[tilespmem:$0x6C80] =	vst v1  }
0x24: {  	[tilespmem:$0x6D00] =	vst v1  }
0x25: {  	[tilespmem:$0x6D80] =	vst v1  }
0x26: {  	[tilespmem:$0x6E00] =	vst v1  }
0x27: {  	[tilespmem:$0x6E80] =	vst v1  }
0x28: {  	[tilespmem:$0x6F00] =	vst v1  }
0x29: {  	[tilespmem:$0x6F80] =	vst v1  }
0x2a: {  	[tilespmem:$0x7000] =	vst v1  }
0x2b: {  	[tilespmem:$0x7080] =	vst v1  }
0x2c: {  	[tilespmem:$0x7100] =	vst v1  }
0x2d: {  	[tilespmem:$0x7180] =	vst v1  }
0x2e: {  	[tilespmem:$0x7200] =	vst v1  }
0x2f: {  	[tilespmem:$0x7280] =	vst v1  }
0x30: {  	[tilespmem:$0x7300] =	vst v1  }
0x31: {  	[tilespmem:$0x7380] =	vst v1  }
0x32: {  	[tilespmem:$0x7400] =	vst v1  }
0x33: {  	[tilespmem:$0x7480] =	vst v1  }
0x34: {  	[tilespmem:$0x7500] =	vst v1  }
0x35: {  	[tilespmem:$0x7580] =	vst v1  }
0x36: {  	[tilespmem:$0x7600] =	vst v1  }
0x37: {  	p0 =	sne.s32 s4, $0x1;
	[tilespmem:$0x7680] =	vst v1  }
.Ltmp1:
0x38: {  	[tilespmem:$0x7700] =	vst v1;
	(pc) =	sbr.rel @!p0 .LBB2_5-.Ltmp1, $4  }
0x39: {  	[tilespmem:$0x7780] =	vst v1  }
0x3a: {  	[spmem:s6] =	stream.linear.scatter [tilespmem:s10], [sflag:$0x2], $0x1000, $0x38;
	[tilespmem:$0x9F60] =	vst v63  }
0x3b: {  	_ =	swait.ge [sflag:s9], $0x1000  }
0x3c: {  	s23 =	sadd.s32 $0xFFFFFFFF, s4;
	s24 =	smov.u32 s6;
	[sflag:s9] =	ssyncset.done $0x0  }
.LBB2_4:
0x3d: {  	p1 =	sne.s32 s23, $0x1;
	[sflag:s9] =	ssyncadd.s32 $0xFFFFF000;
	s24 =	sadd.s32 $0x1000, s24  }
.Ltmp2:
0x3e: {  	s23 =	sadd.s32 $0xFFFFFFFF, s23;
	(pc) =	sbr.rel @p1 .LBB2_4-.Ltmp2, $4  }
0x3f: {  	_ = 	snop  }
0x40: {  	[spmem:s24] =	stream.linear.scatter [tilespmem:s10], [sflag:$0x2], $0x1000, $0x38;
	[tilespmem:$0x9F60] =	vst v63  }
0x41: {  	_ =	swait.ge [sflag:s9], $0x1000  }
0x42: {  	[sflag:s9] =	ssyncset.done $0x0  }
.LBB2_5:
0x43: {  	[sflag:s9] =	ssyncadd.s32 $0xFFFFF000  }
0x44: {  	[bflag:$0x0] =	sbarrier.arrive $0xFFFF  }
0x45: {  	[spmem:s2] =	stream.indirect.scatter.add.f32 [tilespmem:s12], [sflag:$0x1], $0x10, s3, s11, $0xb8;
	[tilespmem:$0x9F60] =	vst v63  }
0x46: {  	_ = 	snop  }
0x47: {  	[spmem:s2] =	stream.indirect.scatter.add.f32 [tilespmem:s12], [sflag:$0x1], $0x10, s13, s11, $0xb8;
	[tilespmem:$0x9F60] =	vst v63  }
0x48: {  	_ = 	snop  }
0x49: {  	[spmem:s2] =	stream.indirect.scatter.add.f32 [tilespmem:s12], [sflag:$0x1], $0x10, s14, s11, $0xb8;
	[tilespmem:$0x9F60] =	vst v63  }
0x4a: {  	_ = 	snop  }
0x4b: {  	[spmem:s2] =	stream.indirect.scatter.add.f32 [tilespmem:s12], [sflag:$0x1], $0x10, s15, s11, $0xb8;
	[tilespmem:$0x9F60] =	vst v63  }
0x4c: {  	_ = 	snop  }
0x4d: {  	[spmem:s2] =	stream.indirect.scatter.add.f32 [tilespmem:s12], [sflag:$0x1], $0x10, s16, s11, $0xb8;
	[tilespmem:$0x9F60] =	vst v63  }
0x4e: {  	_ = 	snop  }
0x4f: {  	[spmem:s2] =	stream.indirect.scatter.add.f32 [tilespmem:s12], [sflag:$0x1], $0x10, s17, s11, $0xb8;
	[tilespmem:$0x9F60] =	vst v63  }
0x50: {  	_ = 	snop  }
0x51: {  	[spmem:s2] =	stream.indirect.scatter.add.f32 [tilespmem:s12], [sflag:$0x1], $0x10, s18, s11, $0xb8;
	[tilespmem:$0x9F60] =	vst v63  }
0x52: {  	_ = 	snop  }
0x53: {  	[spmem:s2] =	stream.indirect.scatter.add.f32 [tilespmem:s12], [sflag:$0x1], $0x10, s19, s11, $0xb8;
	[tilespmem:$0x9F60] =	vst v63  }
0x54: {  	_ =	swait.ge [sflag:s20], $0x7D0  }
0x55: {  	[sflag:s20] =	ssyncset.done $0x0  }
0x56: {  	s23 =	simm.s32 $0x1200;
	s24 =	simm.s32 $0x400;
	[sflag:s20] =	ssyncadd.s32 $0xFFFFF830  }
.LBB2_6:
0x57: {  	[spmem:s2] =	stream.indirect.scatter.add.f32 [tilespmem:s12], [sflag:$0x1], $0x10, s24, s11, $0xb8;
	[tilespmem:$0x9F60] =	vst v63  }
0x58: {  	s24 =	smov.u32 s23;
	p1 =	sne.s32 s23, $0x9E00  }
.Ltmp3:
0x59: {  	s23 =	sadd.s32 $0x200, s23;
	(pc) =	sbr.rel @p1 .LBB2_6-.Ltmp3, $4  }
0x5a: {  	_ = 	snop  }
0x5b: {  	_ =	swait.ge [sflag:s20], $0x7D0  }
0x5c: {  	[sflag:s20] =	ssyncset.done $0x0  }
0x5d: {  	s24 =	sshra.s32 s24, $0x2;
	[sflag:s20] =	ssyncadd.s32 $0xFFFFF830  }
0x5e: {  	[spmem:s2] =	stream.indirect.scatter.add.f32 [tilespmem:s12], [sflag:$0x1], $0x10, s24, s11, $0xb8;
	[tilespmem:$0x9F60] =	vst v63  }
0x5f: {  	_ =	swait.ge [sflag:s20], $0x7D0  }
0x60: {  	[sflag:s20] =	ssyncset.done $0x0  }
0x61: {  	[sflag:s20] =	ssyncadd.s32 $0xFFFFF830  }
0x62: {  	_ =	swait.ge [sflag:s20], $0x7D0  }
0x63: {  	[sflag:s20] =	ssyncset.done $0x0  }
0x64: {  	[sflag:s20] =	ssyncadd.s32 $0xFFFFF830  }
0x65: {  	_ =	swait.ge [sflag:s20], $0x7D0  }
0x66: {  	[sflag:s20] =	ssyncset.done $0x0  }
0x67: {  	[sflag:s20] =	ssyncadd.s32 $0xFFFFF830  }
0x68: {  	_ =	swait.ge [sflag:s20], $0x7D0  }
0x69: {  	[sflag:s20] =	ssyncset.done $0x0  }
0x6a: {  	[sflag:s20] =	ssyncadd.s32 $0xFFFFF830  }
0x6b: {  	_ =	swait.ge [sflag:s20], $0x7D0  }
0x6c: {  	[sflag:s20] =	ssyncset.done $0x0  }
0x6d: {  	[sflag:s20] =	ssyncadd.s32 $0xFFFFF830  }
0x6e: {  	_ =	swait.ge [sflag:s20], $0x7D0  }
0x6f: {  	[sflag:s20] =	ssyncset.done $0x0  }
0x70: {  	[sflag:s20] =	ssyncadd.s32 $0xFFFFF830  }
0x71: {  	_ =	swait.ge [sflag:s20], $0x7D0  }
0x72: {  	[sflag:s20] =	ssyncset.done $0x0  }
0x73: {  	[sflag:s20] =	ssyncadd.s32 $0xFFFFF830  }
0x74: {  	_ =	swait.ge [sflag:s20], $0x7D0  }
0x75: {  	[sflag:s20] =	ssyncset.done $0x0  }
.Ltmp4:
0x76: {  	[sflag:s20] =	ssyncadd.s32 $0xFFFFF830;
	(pc) =	sbr.rel @!p0 .LBB2_9-.Ltmp4, $4  }
0x77: {  	s23 =	sshrl.u32 s6, $0x3;
	[bflag:$0x0] =	sbarrier.arrive $0xFFFF  }
0x78: {  	[hbm:s8], [sflag:s21] =	dma.local [spmem:s23], $0x200  }
0x79: {  	s24 =	sadd.s32 $0x1000, s6;
	_ =	swait.ge [sflag:s9], $0x200  }
0x7a: {  	s25 =	smov.u32 s8;
	s23 =	sadd.s32 $0xFFFFFFFF, s4;
	[sflag:s9] =	ssyncset.done $0x0  }
.LBB2_8:
0x7b: {  	s26 =	sshrl.u32 s24, $0x3  }
0x7c: {  	[sflag:s9] =	ssyncadd.s32 $0xFFFFFE00;
	s25 =	sadd.s32 $0x200, s25;
	p0 =	sne.s32 s23, $0x1  }
0x7d: {  	[hbm:s25], [sflag:s21] =	dma.local [spmem:s26], $0x200  }
.Ltmp5:
0x7e: {  	_ = 	snop;
	(pc) =	sbr.rel @p0 .LBB2_8-.Ltmp5, $4  }
0x7f: {  	_ = 	snop  }
0x80: {  	s23 =	sadd.s32 $0xFFFFFFFF, s23  }
0x81: {  	_ =	swait.ge [sflag:s9], $0x200  }
0x82: {  	s24 =	sadd.s32 $0x1000, s24;
	[sflag:s9] =	ssyncset.done $0x0  }
.LBB2_9:
0x83: {  	s22 =	sadd.s32 $0x1, s22  }
0x84: {  	p0 =	sne.s32 s22, s7  }
.Ltmp6:
0x85: {  	_ = 	snop;
	(pc) =	sbr.rel @p0 .LBB2_1-.Ltmp6, $2  }
0x86: {  	_ =	sdelay $0x2  }
0x87: {  	[sflag:s9] =	ssyncadd.s32 $0xFFFFFE00  }
0x88: {  	_ =	sfence.sel $0x180000  }
0x89: {  	[bflag:$0x0] =	sbarrier.arrive $0xFFFF  }
0x8a: {  	p0 =	sne.s32 s1, $0x0;
	_ =	strace $0x90000047  }
0x8b: {  	s0 =	sadd.s32 @!p0 $0x100000, s0;
	[bflag:$0x2] =	sbarrier.arrive $0xFFFF  }
0x8c: {  	[sflag:s0] =	ssyncadd.tile.s32 @!p0 $0x1;
	_ =	shalt  }
.Lfunc_end2:
_tile_overlayer_lowered:
.L_overlay_start_2:
0x8d: {  	(tag) =	ssettag $0x2  }
0x8e: {  	s0 =	rddreg [dreg:$0x0];
	s2 =	stileid.u32  }
0x8f: {  	s1 =	rddreg [dreg:$0x1];
	p0 =	sne.s32 s2, $0x0  }
0x90: {  	s3 =	rddreg [dreg:$0x2];
	[bflag:$0x3] =	sbarrier.arrive $0xFFFF;
	s2 =	simm.s32 @!p0 $0x1C02  }
0x91: {  	[timem:s3], [sflag:s2] =	dma.local @!p0 [hbm:s0], s1  }
0x92: {  	s0 =	simm.s32 @!p0 $0x2  }
0x93: {  	_ =	swait.ge @!p0 [sflag:s0], s1  }
0x94: {  	s1 =	ssub.s32 @!p0 $0x0, s1;
	[sflag:s0] =	ssyncset.done @!p0 $0x0  }
0x95: {  	[sflag:s0] =	ssyncadd.s32 @!p0 s1  }
0x96: {  	[bflag:$0x3] =	sbarrier.arrive $0xFFFF  }
0x97: {  	_ =	shalt  }

</sc_bundles>
